<compile_context>
chip_gen: v7x
topology: tpu7x:2x2x1
jax: 0.10.2.dev20260603
libtpu: 0.0.44.dev20260713+nightly
codegen_flags: <defaults>
</compile_context>

<pallas_src>
import functools

import jax
import jax.numpy as jnp
from jax import lax
from jax.experimental import pallas as pl
from jax.experimental.pallas import tpu as pltpu
from jax.experimental.pallas import tpu_sc as plsc

D_MODEL = 1024
CHUNK = 8
N_BUF = 8
LOOK = N_BUF // 2


def _build_sc_gather(n_idx: int):
    info = plsc.get_sparse_core_info()
    nc, ns = info.num_cores, info.num_subcores
    nw = nc * ns
    b_per_w = n_idx // nw
    n_chunks = b_per_w // CHUNK
    assert (n_chunks - 2 * LOOK) % N_BUF == 0

    mesh = plsc.VectorSubcoreMesh(core_axis_name="c", subcore_axis_name="s")

    @functools.partial(
        pl.kernel,
        mesh=mesh,
        out_type=jax.ShapeDtypeStruct((n_idx, D_MODEL), jnp.float32),
        scratch_types=[
            pltpu.VMEM((b_per_w,), jnp.int32),
        ]
        + [pltpu.VMEM((CHUNK, D_MODEL), jnp.float32)] * N_BUF
        + [pltpu.SemaphoreType.DMA] * N_BUF,
    )
    def k(table_hbm, idx_hbm, out_hbm, idx_v, *bufsem):
        bufs, sems = bufsem[:N_BUF], bufsem[N_BUF:]
        wid = lax.axis_index("s") * nc + lax.axis_index("c")
        base = wid * b_per_w
        pltpu.sync_copy(idx_hbm.at[pl.ds(base, b_per_w)], idx_v)

        def gather(c, b):
            pltpu.async_copy(
                table_hbm.at[idx_v.at[pl.ds(c * CHUNK, CHUNK)]], bufs[b], sems[b]
            )

        def wait(b):
            pltpu.make_async_copy(
                table_hbm.at[idx_v.at[pl.ds(0, CHUNK)]], bufs[b], sems[b]
            ).wait()

        def write(c, b):
            pltpu.async_copy(
                bufs[b], out_hbm.at[pl.ds(base + c * CHUNK, CHUNK)], sems[b]
            )

        for c in range(LOOK):
            gather(c, c % N_BUF)
        for c in range(LOOK):
            gather(c + LOOK, (c + LOOK) % N_BUF)
            wait(c % N_BUF)
            write(c, c % N_BUF)

        def body(g, carry):
            c_base = LOOK + g * N_BUF
            for j in range(N_BUF):
                c = c_base + j
                b = (j + LOOK) % N_BUF
                bn = (j + 2 * LOOK) % N_BUF
                wait(bn)
                gather(c + LOOK, bn)
                wait(b)
                write(c, b)
            return carry

        lax.fori_loop(0, (n_chunks - 2 * LOOK) // N_BUF, body, 0)

        for c in range(n_chunks - LOOK, n_chunks):
            b = c % N_BUF
            bn = (c + LOOK) % N_BUF
            wait(bn)
            wait(b)
            write(c, b)
        for c in range(n_chunks - LOOK, n_chunks):
            wait(c % N_BUF)

    return k


def kernel(x, pe_weight):
    n_idx = x.size
    idx = x.reshape(n_idx).astype(jnp.int32)
    out = _build_sc_gather(n_idx)(pe_weight, idx)
    return out.reshape(x.shape + (D_MODEL,))

# --- scband reference (transcript-rebuilt; emitter-appended) ---
"""Pipeline reference for scband-positional-embedding-3152505995287 (READ-ONLY COPY).

The authoritative reference and input builder live on the scoring server;
editing this copy changes nothing except your own understanding.
"""

import jax, jax.numpy as jnp
import numpy as np

D_MODEL = 1024
BLOCK_SIZE = 8192
BATCH = 4
SEQ_LEN = 8192

def setup_inputs(seed: int = 0) -> dict:
    key = jax.random.key(seed)
    k_idx, k_tab = jax.random.split(key)
    x = jax.random.randint(k_idx, (BATCH, SEQ_LEN), 0, BLOCK_SIZE, dtype=jnp.int64 if jax.config.jax_enable_x64 else jnp.int32)
    pe_weight = jax.random.normal(k_tab, (BLOCK_SIZE, D_MODEL), dtype=jnp.float32)
    return {"x": x, "pe_weight": pe_weight}

def reference(x, pe_weight):
    # nn.Embedding forward: gather rows of the table by index
    return jnp.take(pe_weight, x, axis=0)

if __name__ == "__main__":
    import jax
    _d = setup_inputs()
    print(jax.jit(kernel)(*tuple(_d.values())))

</pallas_src>

<mosaic_0001>
#map = affine_map<(d0, d1) -> (0, 0)>
#map1 = affine_map<(d0, d1) -> (0)>
module attributes {stable_mosaic.version = 14 : i64} {
  func.func @k(%arg0: i32, %arg1: i32, %arg2: memref<8192x1024xf32, #tpu.memory_space<hbm>>, %arg3: memref<32768xi32, #tpu.memory_space<hbm>>, %arg4: memref<32768x1024xf32, #tpu.memory_space<hbm>>, %arg5: memref<1024xi32, #tpu.memory_space<vmem>>, %arg6: memref<8x1024xf32, #tpu.memory_space<vmem>>, %arg7: memref<8x1024xf32, #tpu.memory_space<vmem>>, %arg8: memref<8x1024xf32, #tpu.memory_space<vmem>>, %arg9: memref<8x1024xf32, #tpu.memory_space<vmem>>, %arg10: memref<8x1024xf32, #tpu.memory_space<vmem>>, %arg11: memref<8x1024xf32, #tpu.memory_space<vmem>>, %arg12: memref<8x1024xf32, #tpu.memory_space<vmem>>, %arg13: memref<8x1024xf32, #tpu.memory_space<vmem>>, %arg14: memref<!tpu.dma_semaphore, #tpu.memory_space<semaphore_mem>>, %arg15: memref<!tpu.dma_semaphore, #tpu.memory_space<semaphore_mem>>, %arg16: memref<!tpu.dma_semaphore, #tpu.memory_space<semaphore_mem>>, %arg17: memref<!tpu.dma_semaphore, #tpu.memory_space<semaphore_mem>>, %arg18: memref<!tpu.dma_semaphore, #tpu.memory_space<semaphore_mem>>, %arg19: memref<!tpu.dma_semaphore, #tpu.memory_space<semaphore_mem>>, %arg20: memref<!tpu.dma_semaphore, #tpu.memory_space<semaphore_mem>>, %arg21: memref<!tpu.dma_semaphore, #tpu.memory_space<semaphore_mem>>) attributes {dimension_semantics = [#tpu.dimension_semantics<core_parallel>, #tpu.dimension_semantics<subcore_parallel>], iteration_bounds = array<i64: 2, 16>, scalar_prefetch = 0 : i64, scratch_operands = 17 : i64, tpu.core_type = #tpu.core_type<sc_vector_subcore>, window_params = [{transform_indices = #map}, {transform_indices = #map1}, {transform_indices = #map}]} {
    %mul3A = arith.constant 2 : i32
    %mul3A_0 = arith.muli %arg1, %mul3A : i32
    %add3A = arith.addi %mul3A_0, %arg0 : i32
    %mul3A_1 = arith.constant 1024 : i32
    %mul3A_2 = arith.muli %add3A, %mul3A_1 : i32
    "tpu.region"() ({
      %run_scoped3A = tpu.sem_alloc : memref<!tpu.dma_semaphore, #tpu.memory_space<semaphore_mem>>
      %dma_start3A_174 = tpu.memref_slice %arg3[%mul3A_2] : memref<32768xi32, #tpu.memory_space<hbm>> -> memref<1024xi32, #tpu.memory_space<hbm>>
      %dma_start3A_175 = tpu.memref_slice %arg3[%mul3A_2] : memref<32768xi32, #tpu.memory_space<hbm>> -> memref<1024xi32, #tpu.memory_space<hbm>>
      tpu.enqueue_dma source(%dma_start3A_175 : memref<1024xi32, #tpu.memory_space<hbm>>) target(%arg5 : memref<1024xi32, #tpu.memory_space<vmem>>) target_semaphore(%run_scoped3A : memref<!tpu.dma_semaphore, #tpu.memory_space<semaphore_mem>>)
      %dma_wait3A_176 = tpu.memref_slice %arg3[%mul3A_2] : memref<32768xi32, #tpu.memory_space<hbm>> -> memref<1024xi32, #tpu.memory_space<hbm>>
      %dma_wait3A_177 = tpu.memref_slice %arg3[%mul3A_2] : memref<32768xi32, #tpu.memory_space<hbm>> -> memref<1024xi32, #tpu.memory_space<hbm>>
      tpu.wait_dma2 semaphore(%run_scoped3A : memref<!tpu.dma_semaphore, #tpu.memory_space<semaphore_mem>>) src(%dma_wait3A_177 : memref<1024xi32, #tpu.memory_space<hbm>>) dst(%arg5 : memref<1024xi32, #tpu.memory_space<vmem>>)
      tpu.yield
    }) : () -> ()
    %dma_start3A = arith.constant 0 : i32
    %dma_start3A_3 = tpu.memref_slice %arg5[%dma_start3A] : memref<1024xi32, #tpu.memory_space<vmem>> -> memref<8xi32, #tpu.memory_space<vmem>>
    %dma_start3A_4 = arith.constant 0 : i32
    %dma_start3A_5 = arith.constant 0 : i32
    %dma_start3A_6 = tpu.memref_slice %arg2[%dma_start3A_4, %dma_start3A_5] : memref<8192x1024xf32, #tpu.memory_space<hbm>> -> memref<8192x1024xf32, #tpu.memory_space<hbm>>
    tpu.enqueue_indirect_dma source(%dma_start3A_6 : memref<8192x1024xf32, #tpu.memory_space<hbm>>) target(%arg6 : memref<8x1024xf32, #tpu.memory_space<vmem>>) offsets(%dma_start3A_3 : memref<8xi32, #tpu.memory_space<vmem>>) semaphore(%arg14 : memref<!tpu.dma_semaphore, #tpu.memory_space<semaphore_mem>>)
    %dma_start3A_7 = arith.constant 8 : i32
    %dma_start3A_8 = tpu.memref_slice %arg5[%dma_start3A_7] : memref<1024xi32, #tpu.memory_space<vmem>> -> memref<8xi32, #tpu.memory_space<vmem>>
    %dma_start3A_9 = arith.constant 0 : i32
    %dma_start3A_10 = arith.constant 0 : i32
    %dma_start3A_11 = tpu.memref_slice %arg2[%dma_start3A_9, %dma_start3A_10] : memref<8192x1024xf32, #tpu.memory_space<hbm>> -> memref<8192x1024xf32, #tpu.memory_space<hbm>>
    tpu.enqueue_indirect_dma source(%dma_start3A_11 : memref<8192x1024xf32, #tpu.memory_space<hbm>>) target(%arg7 : memref<8x1024xf32, #tpu.memory_space<vmem>>) offsets(%dma_start3A_8 : memref<8xi32, #tpu.memory_space<vmem>>) semaphore(%arg15 : memref<!tpu.dma_semaphore, #tpu.memory_space<semaphore_mem>>)
    %dma_start3A_12 = arith.constant 16 : i32
    %dma_start3A_13 = tpu.memref_slice %arg5[%dma_start3A_12] : memref<1024xi32, #tpu.memory_space<vmem>> -> memref<8xi32, #tpu.memory_space<vmem>>
    %dma_start3A_14 = arith.constant 0 : i32
    %dma_start3A_15 = arith.constant 0 : i32
    %dma_start3A_16 = tpu.memref_slice %arg2[%dma_start3A_14, %dma_start3A_15] : memref<8192x1024xf32, #tpu.memory_space<hbm>> -> memref<8192x1024xf32, #tpu.memory_space<hbm>>
    tpu.enqueue_indirect_dma source(%dma_start3A_16 : memref<8192x1024xf32, #tpu.memory_space<hbm>>) target(%arg8 : memref<8x1024xf32, #tpu.memory_space<vmem>>) offsets(%dma_start3A_13 : memref<8xi32, #tpu.memory_space<vmem>>) semaphore(%arg16 : memref<!tpu.dma_semaphore, #tpu.memory_space<semaphore_mem>>)
    %dma_start3A_17 = arith.constant 24 : i32
    %dma_start3A_18 = tpu.memref_slice %arg5[%dma_start3A_17] : memref<1024xi32, #tpu.memory_space<vmem>> -> memref<8xi32, #tpu.memory_space<vmem>>
    %dma_start3A_19 = arith.constant 0 : i32
    %dma_start3A_20 = arith.constant 0 : i32
    %dma_start3A_21 = tpu.memref_slice %arg2[%dma_start3A_19, %dma_start3A_20] : memref<8192x1024xf32, #tpu.memory_space<hbm>> -> memref<8192x1024xf32, #tpu.memory_space<hbm>>
    tpu.enqueue_indirect_dma source(%dma_start3A_21 : memref<8192x1024xf32, #tpu.memory_space<hbm>>) target(%arg9 : memref<8x1024xf32, #tpu.memory_space<vmem>>) offsets(%dma_start3A_18 : memref<8xi32, #tpu.memory_space<vmem>>) semaphore(%arg17 : memref<!tpu.dma_semaphore, #tpu.memory_space<semaphore_mem>>)
    %dma_start3A_22 = arith.constant 32 : i32
    %dma_start3A_23 = tpu.memref_slice %arg5[%dma_start3A_22] : memref<1024xi32, #tpu.memory_space<vmem>> -> memref<8xi32, #tpu.memory_space<vmem>>
    %dma_start3A_24 = arith.constant 0 : i32
    %dma_start3A_25 = arith.constant 0 : i32
    %dma_start3A_26 = tpu.memref_slice %arg2[%dma_start3A_24, %dma_start3A_25] : memref<8192x1024xf32, #tpu.memory_space<hbm>> -> memref<8192x1024xf32, #tpu.memory_space<hbm>>
    tpu.enqueue_indirect_dma source(%dma_start3A_26 : memref<8192x1024xf32, #tpu.memory_space<hbm>>) target(%arg10 : memref<8x1024xf32, #tpu.memory_space<vmem>>) offsets(%dma_start3A_23 : memref<8xi32, #tpu.memory_space<vmem>>) semaphore(%arg18 : memref<!tpu.dma_semaphore, #tpu.memory_space<semaphore_mem>>)
    %dma_wait3A = arith.constant 0 : i32
    %dma_wait3A_27 = tpu.memref_slice %arg5[%dma_wait3A] : memref<1024xi32, #tpu.memory_space<vmem>> -> memref<8xi32, #tpu.memory_space<vmem>>
    %dma_wait3A_28 = arith.constant 0 : i32
    %dma_wait3A_29 = arith.constant 0 : i32
    %dma_wait3A_30 = tpu.memref_slice %arg2[%dma_wait3A_28, %dma_wait3A_29] : memref<8192x1024xf32, #tpu.memory_space<hbm>> -> memref<8192x1024xf32, #tpu.memory_space<hbm>>
    tpu.wait_indirect_dma semaphore(%arg14 : memref<!tpu.dma_semaphore, #tpu.memory_space<semaphore_mem>>) src(%dma_wait3A_30 : memref<8192x1024xf32, #tpu.memory_space<hbm>>) dst(%arg6 : memref<8x1024xf32, #tpu.memory_space<vmem>>)
    %add3A_31 = arith.constant 0 : i32
    %add3A_32 = arith.addi %mul3A_2, %add3A_31 : i32
    %dma_start3A_33 = arith.constant 0 : i32
    %dma_start3A_34 = tpu.memref_slice %arg4[%add3A_32, %dma_start3A_33] : memref<32768x1024xf32, #tpu.memory_space<hbm>> -> memref<8x1024xf32, #tpu.memory_space<hbm>>
    %dma_start3A_35 = arith.constant 0 : i32
    %dma_start3A_36 = tpu.memref_slice %arg4[%add3A_32, %dma_start3A_35] : memref<32768x1024xf32, #tpu.memory_space<hbm>> -> memref<8x1024xf32, #tpu.memory_space<hbm>>
    tpu.enqueue_dma source(%arg6 : memref<8x1024xf32, #tpu.memory_space<vmem>>) target(%dma_start3A_36 : memref<8x1024xf32, #tpu.memory_space<hbm>>) target_semaphore(%arg14 : memref<!tpu.dma_semaphore, #tpu.memory_space<semaphore_mem>>)
    %dma_start3A_37 = arith.constant 40 : i32
    %dma_start3A_38 = tpu.memref_slice %arg5[%dma_start3A_37] : memref<1024xi32, #tpu.memory_space<vmem>> -> memref<8xi32, #tpu.memory_space<vmem>>
    %dma_start3A_39 = arith.constant 0 : i32
    %dma_start3A_40 = arith.constant 0 : i32
    %dma_start3A_41 = tpu.memref_slice %arg2[%dma_start3A_39, %dma_start3A_40] : memref<8192x1024xf32, #tpu.memory_space<hbm>> -> memref<8192x1024xf32, #tpu.memory_space<hbm>>
    tpu.enqueue_indirect_dma source(%dma_start3A_41 : memref<8192x1024xf32, #tpu.memory_space<hbm>>) target(%arg11 : memref<8x1024xf32, #tpu.memory_space<vmem>>) offsets(%dma_start3A_38 : memref<8xi32, #tpu.memory_space<vmem>>) semaphore(%arg19 : memref<!tpu.dma_semaphore, #tpu.memory_space<semaphore_mem>>)
    %dma_wait3A_42 = arith.constant 0 : i32
    %dma_wait3A_43 = tpu.memref_slice %arg5[%dma_wait3A_42] : memref<1024xi32, #tpu.memory_space<vmem>> -> memref<8xi32, #tpu.memory_space<vmem>>
    %dma_wait3A_44 = arith.constant 0 : i32
    %dma_wait3A_45 = arith.constant 0 : i32
    %dma_wait3A_46 = tpu.memref_slice %arg2[%dma_wait3A_44, %dma_wait3A_45] : memref<8192x1024xf32, #tpu.memory_space<hbm>> -> memref<8192x1024xf32, #tpu.memory_space<hbm>>
    tpu.wait_indirect_dma semaphore(%arg15 : memref<!tpu.dma_semaphore, #tpu.memory_space<semaphore_mem>>) src(%dma_wait3A_46 : memref<8192x1024xf32, #tpu.memory_space<hbm>>) dst(%arg7 : memref<8x1024xf32, #tpu.memory_space<vmem>>)
    %add3A_47 = arith.constant 8 : i32
    %add3A_48 = arith.addi %mul3A_2, %add3A_47 : i32
    %dma_start3A_49 = arith.constant 0 : i32
    %dma_start3A_50 = tpu.memref_slice %arg4[%add3A_48, %dma_start3A_49] : memref<32768x1024xf32, #tpu.memory_space<hbm>> -> memref<8x1024xf32, #tpu.memory_space<hbm>>
    %dma_start3A_51 = arith.constant 0 : i32
    %dma_start3A_52 = tpu.memref_slice %arg4[%add3A_48, %dma_start3A_51] : memref<32768x1024xf32, #tpu.memory_space<hbm>> -> memref<8x1024xf32, #tpu.memory_space<hbm>>
    tpu.enqueue_dma source(%arg7 : memref<8x1024xf32, #tpu.memory_space<vmem>>) target(%dma_start3A_52 : memref<8x1024xf32, #tpu.memory_space<hbm>>) target_semaphore(%arg15 : memref<!tpu.dma_semaphore, #tpu.memory_space<semaphore_mem>>)
    %dma_start3A_53 = arith.constant 48 : i32
    %dma_start3A_54 = tpu.memref_slice %arg5[%dma_start3A_53] : memref<1024xi32, #tpu.memory_space<vmem>> -> memref<8xi32, #tpu.memory_space<vmem>>
    %dma_start3A_55 = arith.constant 0 : i32
    %dma_start3A_56 = arith.constant 0 : i32
    %dma_start3A_57 = tpu.memref_slice %arg2[%dma_start3A_55, %dma_start3A_56] : memref<8192x1024xf32, #tpu.memory_space<hbm>> -> memref<8192x1024xf32, #tpu.memory_space<hbm>>
    tpu.enqueue_indirect_dma source(%dma_start3A_57 : memref<8192x1024xf32, #tpu.memory_space<hbm>>) target(%arg12 : memref<8x1024xf32, #tpu.memory_space<vmem>>) offsets(%dma_start3A_54 : memref<8xi32, #tpu.memory_space<vmem>>) semaphore(%arg20 : memref<!tpu.dma_semaphore, #tpu.memory_space<semaphore_mem>>)
    %dma_wait3A_58 = arith.constant 0 : i32
    %dma_wait3A_59 = tpu.memref_slice %arg5[%dma_wait3A_58] : memref<1024xi32, #tpu.memory_space<vmem>> -> memref<8xi32, #tpu.memory_space<vmem>>
    %dma_wait3A_60 = arith.constant 0 : i32
    %dma_wait3A_61 = arith.constant 0 : i32
    %dma_wait3A_62 = tpu.memref_slice %arg2[%dma_wait3A_60, %dma_wait3A_61] : memref<8192x1024xf32, #tpu.memory_space<hbm>> -> memref<8192x1024xf32, #tpu.memory_space<hbm>>
    tpu.wait_indirect_dma semaphore(%arg16 : memref<!tpu.dma_semaphore, #tpu.memory_space<semaphore_mem>>) src(%dma_wait3A_62 : memref<8192x1024xf32, #tpu.memory_space<hbm>>) dst(%arg8 : memref<8x1024xf32, #tpu.memory_space<vmem>>)
    %add3A_63 = arith.constant 16 : i32
    %add3A_64 = arith.addi %mul3A_2, %add3A_63 : i32
    %dma_start3A_65 = arith.constant 0 : i32
    %dma_start3A_66 = tpu.memref_slice %arg4[%add3A_64, %dma_start3A_65] : memref<32768x1024xf32, #tpu.memory_space<hbm>> -> memref<8x1024xf32, #tpu.memory_space<hbm>>
    %dma_start3A_67 = arith.constant 0 : i32
    %dma_start3A_68 = tpu.memref_slice %arg4[%add3A_64, %dma_start3A_67] : memref<32768x1024xf32, #tpu.memory_space<hbm>> -> memref<8x1024xf32, #tpu.memory_space<hbm>>
    tpu.enqueue_dma source(%arg8 : memref<8x1024xf32, #tpu.memory_space<vmem>>) target(%dma_start3A_68 : memref<8x1024xf32, #tpu.memory_space<hbm>>) target_semaphore(%arg16 : memref<!tpu.dma_semaphore, #tpu.memory_space<semaphore_mem>>)
    %dma_start3A_69 = arith.constant 56 : i32
    %dma_start3A_70 = tpu.memref_slice %arg5[%dma_start3A_69] : memref<1024xi32, #tpu.memory_space<vmem>> -> memref<8xi32, #tpu.memory_space<vmem>>
    %dma_start3A_71 = arith.constant 0 : i32
    %dma_start3A_72 = arith.constant 0 : i32
    %dma_start3A_73 = tpu.memref_slice %arg2[%dma_start3A_71, %dma_start3A_72] : memref<8192x1024xf32, #tpu.memory_space<hbm>> -> memref<8192x1024xf32, #tpu.memory_space<hbm>>
    tpu.enqueue_indirect_dma source(%dma_start3A_73 : memref<8192x1024xf32, #tpu.memory_space<hbm>>) target(%arg13 : memref<8x1024xf32, #tpu.memory_space<vmem>>) offsets(%dma_start3A_70 : memref<8xi32, #tpu.memory_space<vmem>>) semaphore(%arg21 : memref<!tpu.dma_semaphore, #tpu.memory_space<semaphore_mem>>)
    %dma_wait3A_74 = arith.constant 0 : i32
    %dma_wait3A_75 = tpu.memref_slice %arg5[%dma_wait3A_74] : memref<1024xi32, #tpu.memory_space<vmem>> -> memref<8xi32, #tpu.memory_space<vmem>>
    %dma_wait3A_76 = arith.constant 0 : i32
    %dma_wait3A_77 = arith.constant 0 : i32
    %dma_wait3A_78 = tpu.memref_slice %arg2[%dma_wait3A_76, %dma_wait3A_77] : memref<8192x1024xf32, #tpu.memory_space<hbm>> -> memref<8192x1024xf32, #tpu.memory_space<hbm>>
    tpu.wait_indirect_dma semaphore(%arg17 : memref<!tpu.dma_semaphore, #tpu.memory_space<semaphore_mem>>) src(%dma_wait3A_78 : memref<8192x1024xf32, #tpu.memory_space<hbm>>) dst(%arg9 : memref<8x1024xf32, #tpu.memory_space<vmem>>)
    %add3A_79 = arith.constant 24 : i32
    %add3A_80 = arith.addi %mul3A_2, %add3A_79 : i32
    %dma_start3A_81 = arith.constant 0 : i32
    %dma_start3A_82 = tpu.memref_slice %arg4[%add3A_80, %dma_start3A_81] : memref<32768x1024xf32, #tpu.memory_space<hbm>> -> memref<8x1024xf32, #tpu.memory_space<hbm>>
    %dma_start3A_83 = arith.constant 0 : i32
    %dma_start3A_84 = tpu.memref_slice %arg4[%add3A_80, %dma_start3A_83] : memref<32768x1024xf32, #tpu.memory_space<hbm>> -> memref<8x1024xf32, #tpu.memory_space<hbm>>
    tpu.enqueue_dma source(%arg9 : memref<8x1024xf32, #tpu.memory_space<vmem>>) target(%dma_start3A_84 : memref<8x1024xf32, #tpu.memory_space<hbm>>) target_semaphore(%arg17 : memref<!tpu.dma_semaphore, #tpu.memory_space<semaphore_mem>>)
    %scan3A = arith.constant 0 : i32
    %scan3A_85 = arith.constant 0 : i32
    %scan3A_86 = arith.constant 15 : i32
    %scan3A_87 = arith.addi %scan3A_85, %scan3A_86 : i32
    %scan3A_88 = arith.constant 1 : i32
    scf.for %scan3A_174 = %scan3A_85 to %scan3A_87 step %scan3A_88  : i32 {
      %mul3A_175 = arith.constant 8 : i32
      %mul3A_176 = arith.muli %scan3A_174, %mul3A_175 : i32
      %add3A_177 = arith.constant 4 : i32
      %add3A_178 = arith.addi %add3A_177, %mul3A_176 : i32
      %add3A_179 = arith.constant 0 : i32
      %add3A_180 = arith.addi %add3A_178, %add3A_179 : i32
      %dma_wait3A_181 = arith.constant 0 : i32
      %dma_wait3A_182 = tpu.memref_slice %arg5[%dma_wait3A_181] : memref<1024xi32, #tpu.memory_space<vmem>> -> memref<8xi32, #tpu.memory_space<vmem>>
      %dma_wait3A_183 = arith.constant 0 : i32
      %dma_wait3A_184 = arith.constant 0 : i32
      %dma_wait3A_185 = tpu.memref_slice %arg2[%dma_wait3A_183, %dma_wait3A_184] : memref<8192x1024xf32, #tpu.memory_space<hbm>> -> memref<8192x1024xf32, #tpu.memory_space<hbm>>
      tpu.wait_indirect_dma semaphore(%arg14 : memref<!tpu.dma_semaphore, #tpu.memory_space<semaphore_mem>>) src(%dma_wait3A_185 : memref<8192x1024xf32, #tpu.memory_space<hbm>>) dst(%arg6 : memref<8x1024xf32, #tpu.memory_space<vmem>>)
      %add3A_186 = arith.constant 4 : i32
      %add3A_187 = arith.addi %add3A_180, %add3A_186 : i32
      %mul3A_188 = arith.constant 8 : i32
      %mul3A_189 = arith.muli %add3A_187, %mul3A_188 : i32
      %dma_start3A_190 = tpu.memref_slice %arg5[%mul3A_189] : memref<1024xi32, #tpu.memory_space<vmem>> -> memref<8xi32, #tpu.memory_space<vmem>>
      %dma_start3A_191 = arith.constant 0 : i32
      %dma_start3A_192 = arith.constant 0 : i32
      %dma_start3A_193 = tpu.memref_slice %arg2[%dma_start3A_191, %dma_start3A_192] : memref<8192x1024xf32, #tpu.memory_space<hbm>> -> memref<8192x1024xf32, #tpu.memory_space<hbm>>
      tpu.enqueue_indirect_dma source(%dma_start3A_193 : memref<8192x1024xf32, #tpu.memory_space<hbm>>) target(%arg6 : memref<8x1024xf32, #tpu.memory_space<vmem>>) offsets(%dma_start3A_190 : memref<8xi32, #tpu.memory_space<vmem>>) semaphore(%arg14 : memref<!tpu.dma_semaphore, #tpu.memory_space<semaphore_mem>>)
      %dma_wait3A_194 = arith.constant 0 : i32
      %dma_wait3A_195 = tpu.memref_slice %arg5[%dma_wait3A_194] : memref<1024xi32, #tpu.memory_space<vmem>> -> memref<8xi32, #tpu.memory_space<vmem>>
      %dma_wait3A_196 = arith.constant 0 : i32
      %dma_wait3A_197 = arith.constant 0 : i32
      %dma_wait3A_198 = tpu.memref_slice %arg2[%dma_wait3A_196, %dma_wait3A_197] : memref<8192x1024xf32, #tpu.memory_space<hbm>> -> memref<8192x1024xf32, #tpu.memory_space<hbm>>
      tpu.wait_indirect_dma semaphore(%arg18 : memref<!tpu.dma_semaphore, #tpu.memory_space<semaphore_mem>>) src(%dma_wait3A_198 : memref<8192x1024xf32, #tpu.memory_space<hbm>>) dst(%arg10 : memref<8x1024xf32, #tpu.memory_space<vmem>>)
      %mul3A_199 = arith.constant 8 : i32
      %mul3A_200 = arith.muli %add3A_180, %mul3A_199 : i32
      %add3A_201 = arith.addi %mul3A_2, %mul3A_200 : i32
      %dma_start3A_202 = arith.constant 0 : i32
      %dma_start3A_203 = tpu.memref_slice %arg4[%add3A_201, %dma_start3A_202] : memref<32768x1024xf32, #tpu.memory_space<hbm>> -> memref<8x1024xf32, #tpu.memory_space<hbm>>
      %dma_start3A_204 = arith.constant 0 : i32
      %dma_start3A_205 = tpu.memref_slice %arg4[%add3A_201, %dma_start3A_204] : memref<32768x1024xf32, #tpu.memory_space<hbm>> -> memref<8x1024xf32, #tpu.memory_space<hbm>>
      tpu.enqueue_dma source(%arg10 : memref<8x1024xf32, #tpu.memory_space<vmem>>) target(%dma_start3A_205 : memref<8x1024xf32, #tpu.memory_space<hbm>>) target_semaphore(%arg18 : memref<!tpu.dma_semaphore, #tpu.memory_space<semaphore_mem>>)
      %add3A_206 = arith.constant 1 : i32
      %add3A_207 = arith.addi %add3A_178, %add3A_206 : i32
      %dma_wait3A_208 = arith.constant 0 : i32
      %dma_wait3A_209 = tpu.memref_slice %arg5[%dma_wait3A_208] : memref<1024xi32, #tpu.memory_space<vmem>> -> memref<8xi32, #tpu.memory_space<vmem>>
      %dma_wait3A_210 = arith.constant 0 : i32
      %dma_wait3A_211 = arith.constant 0 : i32
      %dma_wait3A_212 = tpu.memref_slice %arg2[%dma_wait3A_210, %dma_wait3A_211] : memref<8192x1024xf32, #tpu.memory_space<hbm>> -> memref<8192x1024xf32, #tpu.memory_space<hbm>>
      tpu.wait_indirect_dma semaphore(%arg15 : memref<!tpu.dma_semaphore, #tpu.memory_space<semaphore_mem>>) src(%dma_wait3A_212 : memref<8192x1024xf32, #tpu.memory_space<hbm>>) dst(%arg7 : memref<8x1024xf32, #tpu.memory_space<vmem>>)
      %add3A_213 = arith.constant 4 : i32
      %add3A_214 = arith.addi %add3A_207, %add3A_213 : i32
      %mul3A_215 = arith.constant 8 : i32
      %mul3A_216 = arith.muli %add3A_214, %mul3A_215 : i32
      %dma_start3A_217 = tpu.memref_slice %arg5[%mul3A_216] : memref<1024xi32, #tpu.memory_space<vmem>> -> memref<8xi32, #tpu.memory_space<vmem>>
      %dma_start3A_218 = arith.constant 0 : i32
      %dma_start3A_219 = arith.constant 0 : i32
      %dma_start3A_220 = tpu.memref_slice %arg2[%dma_start3A_218, %dma_start3A_219] : memref<8192x1024xf32, #tpu.memory_space<hbm>> -> memref<8192x1024xf32, #tpu.memory_space<hbm>>
      tpu.enqueue_indirect_dma source(%dma_start3A_220 : memref<8192x1024xf32, #tpu.memory_space<hbm>>) target(%arg7 : memref<8x1024xf32, #tpu.memory_space<vmem>>) offsets(%dma_start3A_217 : memref<8xi32, #tpu.memory_space<vmem>>) semaphore(%arg15 : memref<!tpu.dma_semaphore, #tpu.memory_space<semaphore_mem>>)
      %dma_wait3A_221 = arith.constant 0 : i32
      %dma_wait3A_222 = tpu.memref_slice %arg5[%dma_wait3A_221] : memref<1024xi32, #tpu.memory_space<vmem>> -> memref<8xi32, #tpu.memory_space<vmem>>
      %dma_wait3A_223 = arith.constant 0 : i32
      %dma_wait3A_224 = arith.constant 0 : i32
      %dma_wait3A_225 = tpu.memref_slice %arg2[%dma_wait3A_223, %dma_wait3A_224] : memref<8192x1024xf32, #tpu.memory_space<hbm>> -> memref<8192x1024xf32, #tpu.memory_space<hbm>>
      tpu.wait_indirect_dma semaphore(%arg19 : memref<!tpu.dma_semaphore, #tpu.memory_space<semaphore_mem>>) src(%dma_wait3A_225 : memref<8192x1024xf32, #tpu.memory_space<hbm>>) dst(%arg11 : memref<8x1024xf32, #tpu.memory_space<vmem>>)
      %mul3A_226 = arith.constant 8 : i32
      %mul3A_227 = arith.muli %add3A_207, %mul3A_226 : i32
      %add3A_228 = arith.addi %mul3A_2, %mul3A_227 : i32
      %dma_start3A_229 = arith.constant 0 : i32
      %dma_start3A_230 = tpu.memref_slice %arg4[%add3A_228, %dma_start3A_229] : memref<32768x1024xf32, #tpu.memory_space<hbm>> -> memref<8x1024xf32, #tpu.memory_space<hbm>>
      %dma_start3A_231 = arith.constant 0 : i32
      %dma_start3A_232 = tpu.memref_slice %arg4[%add3A_228, %dma_start3A_231] : memref<32768x1024xf32, #tpu.memory_space<hbm>> -> memref<8x1024xf32, #tpu.memory_space<hbm>>
      tpu.enqueue_dma source(%arg11 : memref<8x1024xf32, #tpu.memory_space<vmem>>) target(%dma_start3A_232 : memref<8x1024xf32, #tpu.memory_space<hbm>>) target_semaphore(%arg19 : memref<!tpu.dma_semaphore, #tpu.memory_space<semaphore_mem>>)
      %add3A_233 = arith.constant 2 : i32
      %add3A_234 = arith.addi %add3A_178, %add3A_233 : i32
      %dma_wait3A_235 = arith.constant 0 : i32
      %dma_wait3A_236 = tpu.memref_slice %arg5[%dma_wait3A_235] : memref<1024xi32, #tpu.memory_space<vmem>> -> memref<8xi32, #tpu.memory_space<vmem>>
      %dma_wait3A_237 = arith.constant 0 : i32
      %dma_wait3A_238 = arith.constant 0 : i32
      %dma_wait3A_239 = tpu.memref_slice %arg2[%dma_wait3A_237, %dma_wait3A_238] : memref<8192x1024xf32, #tpu.memory_space<hbm>> -> memref<8192x1024xf32, #tpu.memory_space<hbm>>
      tpu.wait_indirect_dma semaphore(%arg16 : memref<!tpu.dma_semaphore, #tpu.memory_space<semaphore_mem>>) src(%dma_wait3A_239 : memref<8192x1024xf32, #tpu.memory_space<hbm>>) dst(%arg8 : memref<8x1024xf32, #tpu.memory_space<vmem>>)
      %add3A_240 = arith.constant 4 : i32
      %add3A_241 = arith.addi %add3A_234, %add3A_240 : i32
      %mul3A_242 = arith.constant 8 : i32
      %mul3A_243 = arith.muli %add3A_241, %mul3A_242 : i32
      %dma_start3A_244 = tpu.memref_slice %arg5[%mul3A_243] : memref<1024xi32, #tpu.memory_space<vmem>> -> memref<8xi32, #tpu.memory_space<vmem>>
      %dma_start3A_245 = arith.constant 0 : i32
      %dma_start3A_246 = arith.constant 0 : i32
      %dma_start3A_247 = tpu.memref_slice %arg2[%dma_start3A_245, %dma_start3A_246] : memref<8192x1024xf32, #tpu.memory_space<hbm>> -> memref<8192x1024xf32, #tpu.memory_space<hbm>>
      tpu.enqueue_indirect_dma source(%dma_start3A_247 : memref<8192x1024xf32, #tpu.memory_space<hbm>>) target(%arg8 : memref<8x1024xf32, #tpu.memory_space<vmem>>) offsets(%dma_start3A_244 : memref<8xi32, #tpu.memory_space<vmem>>) semaphore(%arg16 : memref<!tpu.dma_semaphore, #tpu.memory_space<semaphore_mem>>)
      %dma_wait3A_248 = arith.constant 0 : i32
      %dma_wait3A_249 = tpu.memref_slice %arg5[%dma_wait3A_248] : memref<1024xi32, #tpu.memory_space<vmem>> -> memref<8xi32, #tpu.memory_space<vmem>>
      %dma_wait3A_250 = arith.constant 0 : i32
      %dma_wait3A_251 = arith.constant 0 : i32
      %dma_wait3A_252 = tpu.memref_slice %arg2[%dma_wait3A_250, %dma_wait3A_251] : memref<8192x1024xf32, #tpu.memory_space<hbm>> -> memref<8192x1024xf32, #tpu.memory_space<hbm>>
      tpu.wait_indirect_dma semaphore(%arg20 : memref<!tpu.dma_semaphore, #tpu.memory_space<semaphore_mem>>) src(%dma_wait3A_252 : memref<8192x1024xf32, #tpu.memory_space<hbm>>) dst(%arg12 : memref<8x1024xf32, #tpu.memory_space<vmem>>)
      %mul3A_253 = arith.constant 8 : i32
      %mul3A_254 = arith.muli %add3A_234, %mul3A_253 : i32
      %add3A_255 = arith.addi %mul3A_2, %mul3A_254 : i32
      %dma_start3A_256 = arith.constant 0 : i32
      %dma_start3A_257 = tpu.memref_slice %arg4[%add3A_255, %dma_start3A_256] : memref<32768x1024xf32, #tpu.memory_space<hbm>> -> memref<8x1024xf32, #tpu.memory_space<hbm>>
      %dma_start3A_258 = arith.constant 0 : i32
      %dma_start3A_259 = tpu.memref_slice %arg4[%add3A_255, %dma_start3A_258] : memref<32768x1024xf32, #tpu.memory_space<hbm>> -> memref<8x1024xf32, #tpu.memory_space<hbm>>
      tpu.enqueue_dma source(%arg12 : memref<8x1024xf32, #tpu.memory_space<vmem>>) target(%dma_start3A_259 : memref<8x1024xf32, #tpu.memory_space<hbm>>) target_semaphore(%arg20 : memref<!tpu.dma_semaphore, #tpu.memory_space<semaphore_mem>>)
      %add3A_260 = arith.constant 3 : i32
      %add3A_261 = arith.addi %add3A_178, %add3A_260 : i32
      %dma_wait3A_262 = arith.constant 0 : i32
      %dma_wait3A_263 = tpu.memref_slice %arg5[%dma_wait3A_262] : memref<1024xi32, #tpu.memory_space<vmem>> -> memref<8xi32, #tpu.memory_space<vmem>>
      %dma_wait3A_264 = arith.constant 0 : i32
      %dma_wait3A_265 = arith.constant 0 : i32
      %dma_wait3A_266 = tpu.memref_slice %arg2[%dma_wait3A_264, %dma_wait3A_265] : memref<8192x1024xf32, #tpu.memory_space<hbm>> -> memref<8192x1024xf32, #tpu.memory_space<hbm>>
      tpu.wait_indirect_dma semaphore(%arg17 : memref<!tpu.dma_semaphore, #tpu.memory_space<semaphore_mem>>) src(%dma_wait3A_266 : memref<8192x1024xf32, #tpu.memory_space<hbm>>) dst(%arg9 : memref<8x1024xf32, #tpu.memory_space<vmem>>)
      %add3A_267 = arith.constant 4 : i32
      %add3A_268 = arith.addi %add3A_261, %add3A_267 : i32
      %mul3A_269 = arith.constant 8 : i32
      %mul3A_270 = arith.muli %add3A_268, %mul3A_269 : i32
      %dma_start3A_271 = tpu.memref_slice %arg5[%mul3A_270] : memref<1024xi32, #tpu.memory_space<vmem>> -> memref<8xi32, #tpu.memory_space<vmem>>
      %dma_start3A_272 = arith.constant 0 : i32
      %dma_start3A_273 = arith.constant 0 : i32
      %dma_start3A_274 = tpu.memref_slice %arg2[%dma_start3A_272, %dma_start3A_273] : memref<8192x1024xf32, #tpu.memory_space<hbm>> -> memref<8192x1024xf32, #tpu.memory_space<hbm>>
      tpu.enqueue_indirect_dma source(%dma_start3A_274 : memref<8192x1024xf32, #tpu.memory_space<hbm>>) target(%arg9 : memref<8x1024xf32, #tpu.memory_space<vmem>>) offsets(%dma_start3A_271 : memref<8xi32, #tpu.memory_space<vmem>>) semaphore(%arg17 : memref<!tpu.dma_semaphore, #tpu.memory_space<semaphore_mem>>)
      %dma_wait3A_275 = arith.constant 0 : i32
      %dma_wait3A_276 = tpu.memref_slice %arg5[%dma_wait3A_275] : memref<1024xi32, #tpu.memory_space<vmem>> -> memref<8xi32, #tpu.memory_space<vmem>>
      %dma_wait3A_277 = arith.constant 0 : i32
      %dma_wait3A_278 = arith.constant 0 : i32
      %dma_wait3A_279 = tpu.memref_slice %arg2[%dma_wait3A_277, %dma_wait3A_278] : memref<8192x1024xf32, #tpu.memory_space<hbm>> -> memref<8192x1024xf32, #tpu.memory_space<hbm>>
      tpu.wait_indirect_dma semaphore(%arg21 : memref<!tpu.dma_semaphore, #tpu.memory_space<semaphore_mem>>) src(%dma_wait3A_279 : memref<8192x1024xf32, #tpu.memory_space<hbm>>) dst(%arg13 : memref<8x1024xf32, #tpu.memory_space<vmem>>)
      %mul3A_280 = arith.constant 8 : i32
      %mul3A_281 = arith.muli %add3A_261, %mul3A_280 : i32
      %add3A_282 = arith.addi %mul3A_2, %mul3A_281 : i32
      %dma_start3A_283 = arith.constant 0 : i32
      %dma_start3A_284 = tpu.memref_slice %arg4[%add3A_282, %dma_start3A_283] : memref<32768x1024xf32, #tpu.memory_space<hbm>> -> memref<8x1024xf32, #tpu.memory_space<hbm>>
      %dma_start3A_285 = arith.constant 0 : i32
      %dma_start3A_286 = tpu.memref_slice %arg4[%add3A_282, %dma_start3A_285] : memref<32768x1024xf32, #tpu.memory_space<hbm>> -> memref<8x1024xf32, #tpu.memory_space<hbm>>
      tpu.enqueue_dma source(%arg13 : memref<8x1024xf32, #tpu.memory_space<vmem>>) target(%dma_start3A_286 : memref<8x1024xf32, #tpu.memory_space<hbm>>) target_semaphore(%arg21 : memref<!tpu.dma_semaphore, #tpu.memory_space<semaphore_mem>>)
      %add3A_287 = arith.constant 4 : i32
      %add3A_288 = arith.addi %add3A_178, %add3A_287 : i32
      %dma_wait3A_289 = arith.constant 0 : i32
      %dma_wait3A_290 = tpu.memref_slice %arg5[%dma_wait3A_289] : memref<1024xi32, #tpu.memory_space<vmem>> -> memref<8xi32, #tpu.memory_space<vmem>>
      %dma_wait3A_291 = arith.constant 0 : i32
      %dma_wait3A_292 = arith.constant 0 : i32
      %dma_wait3A_293 = tpu.memref_slice %arg2[%dma_wait3A_291, %dma_wait3A_292] : memref<8192x1024xf32, #tpu.memory_space<hbm>> -> memref<8192x1024xf32, #tpu.memory_space<hbm>>
      tpu.wait_indirect_dma semaphore(%arg18 : memref<!tpu.dma_semaphore, #tpu.memory_space<semaphore_mem>>) src(%dma_wait3A_293 : memref<8192x1024xf32, #tpu.memory_space<hbm>>) dst(%arg10 : memref<8x1024xf32, #tpu.memory_space<vmem>>)
      %add3A_294 = arith.constant 4 : i32
      %add3A_295 = arith.addi %add3A_288, %add3A_294 : i32
      %mul3A_296 = arith.constant 8 : i32
      %mul3A_297 = arith.muli %add3A_295, %mul3A_296 : i32
      %dma_start3A_298 = tpu.memref_slice %arg5[%mul3A_297] : memref<1024xi32, #tpu.memory_space<vmem>> -> memref<8xi32, #tpu.memory_space<vmem>>
      %dma_start3A_299 = arith.constant 0 : i32
      %dma_start3A_300 = arith.constant 0 : i32
      %dma_start3A_301 = tpu.memref_slice %arg2[%dma_start3A_299, %dma_start3A_300] : memref<8192x1024xf32, #tpu.memory_space<hbm>> -> memref<8192x1024xf32, #tpu.memory_space<hbm>>
      tpu.enqueue_indirect_dma source(%dma_start3A_301 : memref<8192x1024xf32, #tpu.memory_space<hbm>>) target(%arg10 : memref<8x1024xf32, #tpu.memory_space<vmem>>) offsets(%dma_start3A_298 : memref<8xi32, #tpu.memory_space<vmem>>) semaphore(%arg18 : memref<!tpu.dma_semaphore, #tpu.memory_space<semaphore_mem>>)
      %dma_wait3A_302 = arith.constant 0 : i32
      %dma_wait3A_303 = tpu.memref_slice %arg5[%dma_wait3A_302] : memref<1024xi32, #tpu.memory_space<vmem>> -> memref<8xi32, #tpu.memory_space<vmem>>
      %dma_wait3A_304 = arith.constant 0 : i32
      %dma_wait3A_305 = arith.constant 0 : i32
      %dma_wait3A_306 = tpu.memref_slice %arg2[%dma_wait3A_304, %dma_wait3A_305] : memref<8192x1024xf32, #tpu.memory_space<hbm>> -> memref<8192x1024xf32, #tpu.memory_space<hbm>>
      tpu.wait_indirect_dma semaphore(%arg14 : memref<!tpu.dma_semaphore, #tpu.memory_space<semaphore_mem>>) src(%dma_wait3A_306 : memref<8192x1024xf32, #tpu.memory_space<hbm>>) dst(%arg6 : memref<8x1024xf32, #tpu.memory_space<vmem>>)
      %mul3A_307 = arith.constant 8 : i32
      %mul3A_308 = arith.muli %add3A_288, %mul3A_307 : i32
      %add3A_309 = arith.addi %mul3A_2, %mul3A_308 : i32
      %dma_start3A_310 = arith.constant 0 : i32
      %dma_start3A_311 = tpu.memref_slice %arg4[%add3A_309, %dma_start3A_310] : memref<32768x1024xf32, #tpu.memory_space<hbm>> -> memref<8x1024xf32, #tpu.memory_space<hbm>>
      %dma_start3A_312 = arith.constant 0 : i32
      %dma_start3A_313 = tpu.memref_slice %arg4[%add3A_309, %dma_start3A_312] : memref<32768x1024xf32, #tpu.memory_space<hbm>> -> memref<8x1024xf32, #tpu.memory_space<hbm>>
      tpu.enqueue_dma source(%arg6 : memref<8x1024xf32, #tpu.memory_space<vmem>>) target(%dma_start3A_313 : memref<8x1024xf32, #tpu.memory_space<hbm>>) target_semaphore(%arg14 : memref<!tpu.dma_semaphore, #tpu.memory_space<semaphore_mem>>)
      %add3A_314 = arith.constant 5 : i32
      %add3A_315 = arith.addi %add3A_178, %add3A_314 : i32
      %dma_wait3A_316 = arith.constant 0 : i32
      %dma_wait3A_317 = tpu.memref_slice %arg5[%dma_wait3A_316] : memref<1024xi32, #tpu.memory_space<vmem>> -> memref<8xi32, #tpu.memory_space<vmem>>
      %dma_wait3A_318 = arith.constant 0 : i32
      %dma_wait3A_319 = arith.constant 0 : i32
      %dma_wait3A_320 = tpu.memref_slice %arg2[%dma_wait3A_318, %dma_wait3A_319] : memref<8192x1024xf32, #tpu.memory_space<hbm>> -> memref<8192x1024xf32, #tpu.memory_space<hbm>>
      tpu.wait_indirect_dma semaphore(%arg19 : memref<!tpu.dma_semaphore, #tpu.memory_space<semaphore_mem>>) src(%dma_wait3A_320 : memref<8192x1024xf32, #tpu.memory_space<hbm>>) dst(%arg11 : memref<8x1024xf32, #tpu.memory_space<vmem>>)
      %add3A_321 = arith.constant 4 : i32
      %add3A_322 = arith.addi %add3A_315, %add3A_321 : i32
      %mul3A_323 = arith.constant 8 : i32
      %mul3A_324 = arith.muli %add3A_322, %mul3A_323 : i32
      %dma_start3A_325 = tpu.memref_slice %arg5[%mul3A_324] : memref<1024xi32, #tpu.memory_space<vmem>> -> memref<8xi32, #tpu.memory_space<vmem>>
      %dma_start3A_326 = arith.constant 0 : i32
      %dma_start3A_327 = arith.constant 0 : i32
      %dma_start3A_328 = tpu.memref_slice %arg2[%dma_start3A_326, %dma_start3A_327] : memref<8192x1024xf32, #tpu.memory_space<hbm>> -> memref<8192x1024xf32, #tpu.memory_space<hbm>>
      tpu.enqueue_indirect_dma source(%dma_start3A_328 : memref<8192x1024xf32, #tpu.memory_space<hbm>>) target(%arg11 : memref<8x1024xf32, #tpu.memory_space<vmem>>) offsets(%dma_start3A_325 : memref<8xi32, #tpu.memory_space<vmem>>) semaphore(%arg19 : memref<!tpu.dma_semaphore, #tpu.memory_space<semaphore_mem>>)
      %dma_wait3A_329 = arith.constant 0 : i32
      %dma_wait3A_330 = tpu.memref_slice %arg5[%dma_wait3A_329] : memref<1024xi32, #tpu.memory_space<vmem>> -> memref<8xi32, #tpu.memory_space<vmem>>
      %dma_wait3A_331 = arith.constant 0 : i32
      %dma_wait3A_332 = arith.constant 0 : i32
      %dma_wait3A_333 = tpu.memref_slice %arg2[%dma_wait3A_331, %dma_wait3A_332] : memref<8192x1024xf32, #tpu.memory_space<hbm>> -> memref<8192x1024xf32, #tpu.memory_space<hbm>>
      tpu.wait_indirect_dma semaphore(%arg15 : memref<!tpu.dma_semaphore, #tpu.memory_space<semaphore_mem>>) src(%dma_wait3A_333 : memref<8192x1024xf32, #tpu.memory_space<hbm>>) dst(%arg7 : memref<8x1024xf32, #tpu.memory_space<vmem>>)
      %mul3A_334 = arith.constant 8 : i32
      %mul3A_335 = arith.muli %add3A_315, %mul3A_334 : i32
      %add3A_336 = arith.addi %mul3A_2, %mul3A_335 : i32
      %dma_start3A_337 = arith.constant 0 : i32
      %dma_start3A_338 = tpu.memref_slice %arg4[%add3A_336, %dma_start3A_337] : memref<32768x1024xf32, #tpu.memory_space<hbm>> -> memref<8x1024xf32, #tpu.memory_space<hbm>>
      %dma_start3A_339 = arith.constant 0 : i32
      %dma_start3A_340 = tpu.memref_slice %arg4[%add3A_336, %dma_start3A_339] : memref<32768x1024xf32, #tpu.memory_space<hbm>> -> memref<8x1024xf32, #tpu.memory_space<hbm>>
      tpu.enqueue_dma source(%arg7 : memref<8x1024xf32, #tpu.memory_space<vmem>>) target(%dma_start3A_340 : memref<8x1024xf32, #tpu.memory_space<hbm>>) target_semaphore(%arg15 : memref<!tpu.dma_semaphore, #tpu.memory_space<semaphore_mem>>)
      %add3A_341 = arith.constant 6 : i32
      %add3A_342 = arith.addi %add3A_178, %add3A_341 : i32
      %dma_wait3A_343 = arith.constant 0 : i32
      %dma_wait3A_344 = tpu.memref_slice %arg5[%dma_wait3A_343] : memref<1024xi32, #tpu.memory_space<vmem>> -> memref<8xi32, #tpu.memory_space<vmem>>
      %dma_wait3A_345 = arith.constant 0 : i32
      %dma_wait3A_346 = arith.constant 0 : i32
      %dma_wait3A_347 = tpu.memref_slice %arg2[%dma_wait3A_345, %dma_wait3A_346] : memref<8192x1024xf32, #tpu.memory_space<hbm>> -> memref<8192x1024xf32, #tpu.memory_space<hbm>>
      tpu.wait_indirect_dma semaphore(%arg20 : memref<!tpu.dma_semaphore, #tpu.memory_space<semaphore_mem>>) src(%dma_wait3A_347 : memref<8192x1024xf32, #tpu.memory_space<hbm>>) dst(%arg12 : memref<8x1024xf32, #tpu.memory_space<vmem>>)
      %add3A_348 = arith.constant 4 : i32
      %add3A_349 = arith.addi %add3A_342, %add3A_348 : i32
      %mul3A_350 = arith.constant 8 : i32
      %mul3A_351 = arith.muli %add3A_349, %mul3A_350 : i32
      %dma_start3A_352 = tpu.memref_slice %arg5[%mul3A_351] : memref<1024xi32, #tpu.memory_space<vmem>> -> memref<8xi32, #tpu.memory_space<vmem>>
      %dma_start3A_353 = arith.constant 0 : i32
      %dma_start3A_354 = arith.constant 0 : i32
      %dma_start3A_355 = tpu.memref_slice %arg2[%dma_start3A_353, %dma_start3A_354] : memref<8192x1024xf32, #tpu.memory_space<hbm>> -> memref<8192x1024xf32, #tpu.memory_space<hbm>>
      tpu.enqueue_indirect_dma source(%dma_start3A_355 : memref<8192x1024xf32, #tpu.memory_space<hbm>>) target(%arg12 : memref<8x1024xf32, #tpu.memory_space<vmem>>) offsets(%dma_start3A_352 : memref<8xi32, #tpu.memory_space<vmem>>) semaphore(%arg20 : memref<!tpu.dma_semaphore, #tpu.memory_space<semaphore_mem>>)
      %dma_wait3A_356 = arith.constant 0 : i32
      %dma_wait3A_357 = tpu.memref_slice %arg5[%dma_wait3A_356] : memref<1024xi32, #tpu.memory_space<vmem>> -> memref<8xi32, #tpu.memory_space<vmem>>
      %dma_wait3A_358 = arith.constant 0 : i32
      %dma_wait3A_359 = arith.constant 0 : i32
      %dma_wait3A_360 = tpu.memref_slice %arg2[%dma_wait3A_358, %dma_wait3A_359] : memref<8192x1024xf32, #tpu.memory_space<hbm>> -> memref<8192x1024xf32, #tpu.memory_space<hbm>>
      tpu.wait_indirect_dma semaphore(%arg16 : memref<!tpu.dma_semaphore, #tpu.memory_space<semaphore_mem>>) src(%dma_wait3A_360 : memref<8192x1024xf32, #tpu.memory_space<hbm>>) dst(%arg8 : memref<8x1024xf32, #tpu.memory_space<vmem>>)
      %mul3A_361 = arith.constant 8 : i32
      %mul3A_362 = arith.muli %add3A_342, %mul3A_361 : i32
      %add3A_363 = arith.addi %mul3A_2, %mul3A_362 : i32
      %dma_start3A_364 = arith.constant 0 : i32
      %dma_start3A_365 = tpu.memref_slice %arg4[%add3A_363, %dma_start3A_364] : memref<32768x1024xf32, #tpu.memory_space<hbm>> -> memref<8x1024xf32, #tpu.memory_space<hbm>>
      %dma_start3A_366 = arith.constant 0 : i32
      %dma_start3A_367 = tpu.memref_slice %arg4[%add3A_363, %dma_start3A_366] : memref<32768x1024xf32, #tpu.memory_space<hbm>> -> memref<8x1024xf32, #tpu.memory_space<hbm>>
      tpu.enqueue_dma source(%arg8 : memref<8x1024xf32, #tpu.memory_space<vmem>>) target(%dma_start3A_367 : memref<8x1024xf32, #tpu.memory_space<hbm>>) target_semaphore(%arg16 : memref<!tpu.dma_semaphore, #tpu.memory_space<semaphore_mem>>)
      %add3A_368 = arith.constant 7 : i32
      %add3A_369 = arith.addi %add3A_178, %add3A_368 : i32
      %dma_wait3A_370 = arith.constant 0 : i32
      %dma_wait3A_371 = tpu.memref_slice %arg5[%dma_wait3A_370] : memref<1024xi32, #tpu.memory_space<vmem>> -> memref<8xi32, #tpu.memory_space<vmem>>
      %dma_wait3A_372 = arith.constant 0 : i32
      %dma_wait3A_373 = arith.constant 0 : i32
      %dma_wait3A_374 = tpu.memref_slice %arg2[%dma_wait3A_372, %dma_wait3A_373] : memref<8192x1024xf32, #tpu.memory_space<hbm>> -> memref<8192x1024xf32, #tpu.memory_space<hbm>>
      tpu.wait_indirect_dma semaphore(%arg21 : memref<!tpu.dma_semaphore, #tpu.memory_space<semaphore_mem>>) src(%dma_wait3A_374 : memref<8192x1024xf32, #tpu.memory_space<hbm>>) dst(%arg13 : memref<8x1024xf32, #tpu.memory_space<vmem>>)
      %add3A_375 = arith.constant 4 : i32
      %add3A_376 = arith.addi %add3A_369, %add3A_375 : i32
      %mul3A_377 = arith.constant 8 : i32
      %mul3A_378 = arith.muli %add3A_376, %mul3A_377 : i32
      %dma_start3A_379 = tpu.memref_slice %arg5[%mul3A_378] : memref<1024xi32, #tpu.memory_space<vmem>> -> memref<8xi32, #tpu.memory_space<vmem>>
      %dma_start3A_380 = arith.constant 0 : i32
      %dma_start3A_381 = arith.constant 0 : i32
      %dma_start3A_382 = tpu.memref_slice %arg2[%dma_start3A_380, %dma_start3A_381] : memref<8192x1024xf32, #tpu.memory_space<hbm>> -> memref<8192x1024xf32, #tpu.memory_space<hbm>>
      tpu.enqueue_indirect_dma source(%dma_start3A_382 : memref<8192x1024xf32, #tpu.memory_space<hbm>>) target(%arg13 : memref<8x1024xf32, #tpu.memory_space<vmem>>) offsets(%dma_start3A_379 : memref<8xi32, #tpu.memory_space<vmem>>) semaphore(%arg21 : memref<!tpu.dma_semaphore, #tpu.memory_space<semaphore_mem>>)
      %dma_wait3A_383 = arith.constant 0 : i32
      %dma_wait3A_384 = tpu.memref_slice %arg5[%dma_wait3A_383] : memref<1024xi32, #tpu.memory_space<vmem>> -> memref<8xi32, #tpu.memory_space<vmem>>
      %dma_wait3A_385 = arith.constant 0 : i32
      %dma_wait3A_386 = arith.constant 0 : i32
      %dma_wait3A_387 = tpu.memref_slice %arg2[%dma_wait3A_385, %dma_wait3A_386] : memref<8192x1024xf32, #tpu.memory_space<hbm>> -> memref<8192x1024xf32, #tpu.memory_space<hbm>>
      tpu.wait_indirect_dma semaphore(%arg17 : memref<!tpu.dma_semaphore, #tpu.memory_space<semaphore_mem>>) src(%dma_wait3A_387 : memref<8192x1024xf32, #tpu.memory_space<hbm>>) dst(%arg9 : memref<8x1024xf32, #tpu.memory_space<vmem>>)
      %mul3A_388 = arith.constant 8 : i32
      %mul3A_389 = arith.muli %add3A_369, %mul3A_388 : i32
      %add3A_390 = arith.addi %mul3A_2, %mul3A_389 : i32
      %dma_start3A_391 = arith.constant 0 : i32
      %dma_start3A_392 = tpu.memref_slice %arg4[%add3A_390, %dma_start3A_391] : memref<32768x1024xf32, #tpu.memory_space<hbm>> -> memref<8x1024xf32, #tpu.memory_space<hbm>>
      %dma_start3A_393 = arith.constant 0 : i32
      %dma_start3A_394 = tpu.memref_slice %arg4[%add3A_390, %dma_start3A_393] : memref<32768x1024xf32, #tpu.memory_space<hbm>> -> memref<8x1024xf32, #tpu.memory_space<hbm>>
      tpu.enqueue_dma source(%arg9 : memref<8x1024xf32, #tpu.memory_space<vmem>>) target(%dma_start3A_394 : memref<8x1024xf32, #tpu.memory_space<hbm>>) target_semaphore(%arg17 : memref<!tpu.dma_semaphore, #tpu.memory_space<semaphore_mem>>)
    }
    %scan3A_89 = arith.constant 15 : i32
    %dma_wait3A_90 = arith.constant 0 : i32
    %dma_wait3A_91 = tpu.memref_slice %arg5[%dma_wait3A_90] : memref<1024xi32, #tpu.memory_space<vmem>> -> memref<8xi32, #tpu.memory_space<vmem>>
    %dma_wait3A_92 = arith.constant 0 : i32
    %dma_wait3A_93 = arith.constant 0 : i32
    %dma_wait3A_94 = tpu.memref_slice %arg2[%dma_wait3A_92, %dma_wait3A_93] : memref<8192x1024xf32, #tpu.memory_space<hbm>> -> memref<8192x1024xf32, #tpu.memory_space<hbm>>
    tpu.wait_indirect_dma semaphore(%arg14 : memref<!tpu.dma_semaphore, #tpu.memory_space<semaphore_mem>>) src(%dma_wait3A_94 : memref<8192x1024xf32, #tpu.memory_space<hbm>>) dst(%arg6 : memref<8x1024xf32, #tpu.memory_space<vmem>>)
    %dma_wait3A_95 = arith.constant 0 : i32
    %dma_wait3A_96 = tpu.memref_slice %arg5[%dma_wait3A_95] : memref<1024xi32, #tpu.memory_space<vmem>> -> memref<8xi32, #tpu.memory_space<vmem>>
    %dma_wait3A_97 = arith.constant 0 : i32
    %dma_wait3A_98 = arith.constant 0 : i32
    %dma_wait3A_99 = tpu.memref_slice %arg2[%dma_wait3A_97, %dma_wait3A_98] : memref<8192x1024xf32, #tpu.memory_space<hbm>> -> memref<8192x1024xf32, #tpu.memory_space<hbm>>
    tpu.wait_indirect_dma semaphore(%arg18 : memref<!tpu.dma_semaphore, #tpu.memory_space<semaphore_mem>>) src(%dma_wait3A_99 : memref<8192x1024xf32, #tpu.memory_space<hbm>>) dst(%arg10 : memref<8x1024xf32, #tpu.memory_space<vmem>>)
    %add3A_100 = arith.constant 992 : i32
    %add3A_101 = arith.addi %mul3A_2, %add3A_100 : i32
    %dma_start3A_102 = arith.constant 0 : i32
    %dma_start3A_103 = tpu.memref_slice %arg4[%add3A_101, %dma_start3A_102] : memref<32768x1024xf32, #tpu.memory_space<hbm>> -> memref<8x1024xf32, #tpu.memory_space<hbm>>
    %dma_start3A_104 = arith.constant 0 : i32
    %dma_start3A_105 = tpu.memref_slice %arg4[%add3A_101, %dma_start3A_104] : memref<32768x1024xf32, #tpu.memory_space<hbm>> -> memref<8x1024xf32, #tpu.memory_space<hbm>>
    tpu.enqueue_dma source(%arg10 : memref<8x1024xf32, #tpu.memory_space<vmem>>) target(%dma_start3A_105 : memref<8x1024xf32, #tpu.memory_space<hbm>>) target_semaphore(%arg18 : memref<!tpu.dma_semaphore, #tpu.memory_space<semaphore_mem>>)
    %dma_wait3A_106 = arith.constant 0 : i32
    %dma_wait3A_107 = tpu.memref_slice %arg5[%dma_wait3A_106] : memref<1024xi32, #tpu.memory_space<vmem>> -> memref<8xi32, #tpu.memory_space<vmem>>
    %dma_wait3A_108 = arith.constant 0 : i32
    %dma_wait3A_109 = arith.constant 0 : i32
    %dma_wait3A_110 = tpu.memref_slice %arg2[%dma_wait3A_108, %dma_wait3A_109] : memref<8192x1024xf32, #tpu.memory_space<hbm>> -> memref<8192x1024xf32, #tpu.memory_space<hbm>>
    tpu.wait_indirect_dma semaphore(%arg15 : memref<!tpu.dma_semaphore, #tpu.memory_space<semaphore_mem>>) src(%dma_wait3A_110 : memref<8192x1024xf32, #tpu.memory_space<hbm>>) dst(%arg7 : memref<8x1024xf32, #tpu.memory_space<vmem>>)
    %dma_wait3A_111 = arith.constant 0 : i32
    %dma_wait3A_112 = tpu.memref_slice %arg5[%dma_wait3A_111] : memref<1024xi32, #tpu.memory_space<vmem>> -> memref<8xi32, #tpu.memory_space<vmem>>
    %dma_wait3A_113 = arith.constant 0 : i32
    %dma_wait3A_114 = arith.constant 0 : i32
    %dma_wait3A_115 = tpu.memref_slice %arg2[%dma_wait3A_113, %dma_wait3A_114] : memref<8192x1024xf32, #tpu.memory_space<hbm>> -> memref<8192x1024xf32, #tpu.memory_space<hbm>>
    tpu.wait_indirect_dma semaphore(%arg19 : memref<!tpu.dma_semaphore, #tpu.memory_space<semaphore_mem>>) src(%dma_wait3A_115 : memref<8192x1024xf32, #tpu.memory_space<hbm>>) dst(%arg11 : memref<8x1024xf32, #tpu.memory_space<vmem>>)
    %add3A_116 = arith.constant 1000 : i32
    %add3A_117 = arith.addi %mul3A_2, %add3A_116 : i32
    %dma_start3A_118 = arith.constant 0 : i32
    %dma_start3A_119 = tpu.memref_slice %arg4[%add3A_117, %dma_start3A_118] : memref<32768x1024xf32, #tpu.memory_space<hbm>> -> memref<8x1024xf32, #tpu.memory_space<hbm>>
    %dma_start3A_120 = arith.constant 0 : i32
    %dma_start3A_121 = tpu.memref_slice %arg4[%add3A_117, %dma_start3A_120] : memref<32768x1024xf32, #tpu.memory_space<hbm>> -> memref<8x1024xf32, #tpu.memory_space<hbm>>
    tpu.enqueue_dma source(%arg11 : memref<8x1024xf32, #tpu.memory_space<vmem>>) target(%dma_start3A_121 : memref<8x1024xf32, #tpu.memory_space<hbm>>) target_semaphore(%arg19 : memref<!tpu.dma_semaphore, #tpu.memory_space<semaphore_mem>>)
    %dma_wait3A_122 = arith.constant 0 : i32
    %dma_wait3A_123 = tpu.memref_slice %arg5[%dma_wait3A_122] : memref<1024xi32, #tpu.memory_space<vmem>> -> memref<8xi32, #tpu.memory_space<vmem>>
    %dma_wait3A_124 = arith.constant 0 : i32
    %dma_wait3A_125 = arith.constant 0 : i32
    %dma_wait3A_126 = tpu.memref_slice %arg2[%dma_wait3A_124, %dma_wait3A_125] : memref<8192x1024xf32, #tpu.memory_space<hbm>> -> memref<8192x1024xf32, #tpu.memory_space<hbm>>
    tpu.wait_indirect_dma semaphore(%arg16 : memref<!tpu.dma_semaphore, #tpu.memory_space<semaphore_mem>>) src(%dma_wait3A_126 : memref<8192x1024xf32, #tpu.memory_space<hbm>>) dst(%arg8 : memref<8x1024xf32, #tpu.memory_space<vmem>>)
    %dma_wait3A_127 = arith.constant 0 : i32
    %dma_wait3A_128 = tpu.memref_slice %arg5[%dma_wait3A_127] : memref<1024xi32, #tpu.memory_space<vmem>> -> memref<8xi32, #tpu.memory_space<vmem>>
    %dma_wait3A_129 = arith.constant 0 : i32
    %dma_wait3A_130 = arith.constant 0 : i32
    %dma_wait3A_131 = tpu.memref_slice %arg2[%dma_wait3A_129, %dma_wait3A_130] : memref<8192x1024xf32, #tpu.memory_space<hbm>> -> memref<8192x1024xf32, #tpu.memory_space<hbm>>
    tpu.wait_indirect_dma semaphore(%arg20 : memref<!tpu.dma_semaphore, #tpu.memory_space<semaphore_mem>>) src(%dma_wait3A_131 : memref<8192x1024xf32, #tpu.memory_space<hbm>>) dst(%arg12 : memref<8x1024xf32, #tpu.memory_space<vmem>>)
    %add3A_132 = arith.constant 1008 : i32
    %add3A_133 = arith.addi %mul3A_2, %add3A_132 : i32
    %dma_start3A_134 = arith.constant 0 : i32
    %dma_start3A_135 = tpu.memref_slice %arg4[%add3A_133, %dma_start3A_134] : memref<32768x1024xf32, #tpu.memory_space<hbm>> -> memref<8x1024xf32, #tpu.memory_space<hbm>>
    %dma_start3A_136 = arith.constant 0 : i32
    %dma_start3A_137 = tpu.memref_slice %arg4[%add3A_133, %dma_start3A_136] : memref<32768x1024xf32, #tpu.memory_space<hbm>> -> memref<8x1024xf32, #tpu.memory_space<hbm>>
    tpu.enqueue_dma source(%arg12 : memref<8x1024xf32, #tpu.memory_space<vmem>>) target(%dma_start3A_137 : memref<8x1024xf32, #tpu.memory_space<hbm>>) target_semaphore(%arg20 : memref<!tpu.dma_semaphore, #tpu.memory_space<semaphore_mem>>)
    %dma_wait3A_138 = arith.constant 0 : i32
    %dma_wait3A_139 = tpu.memref_slice %arg5[%dma_wait3A_138] : memref<1024xi32, #tpu.memory_space<vmem>> -> memref<8xi32, #tpu.memory_space<vmem>>
    %dma_wait3A_140 = arith.constant 0 : i32
    %dma_wait3A_141 = arith.constant 0 : i32
    %dma_wait3A_142 = tpu.memref_slice %arg2[%dma_wait3A_140, %dma_wait3A_141] : memref<8192x1024xf32, #tpu.memory_space<hbm>> -> memref<8192x1024xf32, #tpu.memory_space<hbm>>
    tpu.wait_indirect_dma semaphore(%arg17 : memref<!tpu.dma_semaphore, #tpu.memory_space<semaphore_mem>>) src(%dma_wait3A_142 : memref<8192x1024xf32, #tpu.memory_space<hbm>>) dst(%arg9 : memref<8x1024xf32, #tpu.memory_space<vmem>>)
    %dma_wait3A_143 = arith.constant 0 : i32
    %dma_wait3A_144 = tpu.memref_slice %arg5[%dma_wait3A_143] : memref<1024xi32, #tpu.memory_space<vmem>> -> memref<8xi32, #tpu.memory_space<vmem>>
    %dma_wait3A_145 = arith.constant 0 : i32
    %dma_wait3A_146 = arith.constant 0 : i32
    %dma_wait3A_147 = tpu.memref_slice %arg2[%dma_wait3A_145, %dma_wait3A_146] : memref<8192x1024xf32, #tpu.memory_space<hbm>> -> memref<8192x1024xf32, #tpu.memory_space<hbm>>
    tpu.wait_indirect_dma semaphore(%arg21 : memref<!tpu.dma_semaphore, #tpu.memory_space<semaphore_mem>>) src(%dma_wait3A_147 : memref<8192x1024xf32, #tpu.memory_space<hbm>>) dst(%arg13 : memref<8x1024xf32, #tpu.memory_space<vmem>>)
    %add3A_148 = arith.constant 1016 : i32
    %add3A_149 = arith.addi %mul3A_2, %add3A_148 : i32
    %dma_start3A_150 = arith.constant 0 : i32
    %dma_start3A_151 = tpu.memref_slice %arg4[%add3A_149, %dma_start3A_150] : memref<32768x1024xf32, #tpu.memory_space<hbm>> -> memref<8x1024xf32, #tpu.memory_space<hbm>>
    %dma_start3A_152 = arith.constant 0 : i32
    %dma_start3A_153 = tpu.memref_slice %arg4[%add3A_149, %dma_start3A_152] : memref<32768x1024xf32, #tpu.memory_space<hbm>> -> memref<8x1024xf32, #tpu.memory_space<hbm>>
    tpu.enqueue_dma source(%arg13 : memref<8x1024xf32, #tpu.memory_space<vmem>>) target(%dma_start3A_153 : memref<8x1024xf32, #tpu.memory_space<hbm>>) target_semaphore(%arg21 : memref<!tpu.dma_semaphore, #tpu.memory_space<semaphore_mem>>)
    %dma_wait3A_154 = arith.constant 0 : i32
    %dma_wait3A_155 = tpu.memref_slice %arg5[%dma_wait3A_154] : memref<1024xi32, #tpu.memory_space<vmem>> -> memref<8xi32, #tpu.memory_space<vmem>>
    %dma_wait3A_156 = arith.constant 0 : i32
    %dma_wait3A_157 = arith.constant 0 : i32
    %dma_wait3A_158 = tpu.memref_slice %arg2[%dma_wait3A_156, %dma_wait3A_157] : memref<8192x1024xf32, #tpu.memory_space<hbm>> -> memref<8192x1024xf32, #tpu.memory_space<hbm>>
    tpu.wait_indirect_dma semaphore(%arg18 : memref<!tpu.dma_semaphore, #tpu.memory_space<semaphore_mem>>) src(%dma_wait3A_158 : memref<8192x1024xf32, #tpu.memory_space<hbm>>) dst(%arg10 : memref<8x1024xf32, #tpu.memory_space<vmem>>)
    %dma_wait3A_159 = arith.constant 0 : i32
    %dma_wait3A_160 = tpu.memref_slice %arg5[%dma_wait3A_159] : memref<1024xi32, #tpu.memory_space<vmem>> -> memref<8xi32, #tpu.memory_space<vmem>>
    %dma_wait3A_161 = arith.constant 0 : i32
    %dma_wait3A_162 = arith.constant 0 : i32
    %dma_wait3A_163 = tpu.memref_slice %arg2[%dma_wait3A_161, %dma_wait3A_162] : memref<8192x1024xf32, #tpu.memory_space<hbm>> -> memref<8192x1024xf32, #tpu.memory_space<hbm>>
    tpu.wait_indirect_dma semaphore(%arg19 : memref<!tpu.dma_semaphore, #tpu.memory_space<semaphore_mem>>) src(%dma_wait3A_163 : memref<8192x1024xf32, #tpu.memory_space<hbm>>) dst(%arg11 : memref<8x1024xf32, #tpu.memory_space<vmem>>)
    %dma_wait3A_164 = arith.constant 0 : i32
    %dma_wait3A_165 = tpu.memref_slice %arg5[%dma_wait3A_164] : memref<1024xi32, #tpu.memory_space<vmem>> -> memref<8xi32, #tpu.memory_space<vmem>>
    %dma_wait3A_166 = arith.constant 0 : i32
    %dma_wait3A_167 = arith.constant 0 : i32
    %dma_wait3A_168 = tpu.memref_slice %arg2[%dma_wait3A_166, %dma_wait3A_167] : memref<8192x1024xf32, #tpu.memory_space<hbm>> -> memref<8192x1024xf32, #tpu.memory_space<hbm>>
    tpu.wait_indirect_dma semaphore(%arg20 : memref<!tpu.dma_semaphore, #tpu.memory_space<semaphore_mem>>) src(%dma_wait3A_168 : memref<8192x1024xf32, #tpu.memory_space<hbm>>) dst(%arg12 : memref<8x1024xf32, #tpu.memory_space<vmem>>)
    %dma_wait3A_169 = arith.constant 0 : i32
    %dma_wait3A_170 = tpu.memref_slice %arg5[%dma_wait3A_169] : memref<1024xi32, #tpu.memory_space<vmem>> -> memref<8xi32, #tpu.memory_space<vmem>>
    %dma_wait3A_171 = arith.constant 0 : i32
    %dma_wait3A_172 = arith.constant 0 : i32
    %dma_wait3A_173 = tpu.memref_slice %arg2[%dma_wait3A_171, %dma_wait3A_172] : memref<8192x1024xf32, #tpu.memory_space<hbm>> -> memref<8192x1024xf32, #tpu.memory_space<hbm>>
    tpu.wait_indirect_dma semaphore(%arg21 : memref<!tpu.dma_semaphore, #tpu.memory_space<semaphore_mem>>) src(%dma_wait3A_173 : memref<8192x1024xf32, #tpu.memory_space<hbm>>) dst(%arg13 : memref<8x1024xf32, #tpu.memory_space<vmem>>)
    return
  }
}

</mosaic_0001>

<sc_bundles>
// kernel: kernel.3.cloned.1.call-start
scs
__scs_entry_jumppad:
0x0: {  	(pc) =	sbr.rel $0x88, $3  }
0x1: {  	(tag) =	ssettag $0x0;
	lr =	simm.s32 $0x1  }
0x2: {  	[smem:$0x3F9F] =	sst lr;
	_ =	strace $0xD0000000  }
0x3: {  	_ = 	snop  }
0x4: {  	_ = 	snop  }
0x5: {  	_ = 	snop  }
0x6: {  	_ = 	snop  }
0x7: {  	_ = 	snop  }
__scs_overlays_trampoline_lowered:
0x8: {  	[smem:$0x3FAE] =	sst s0  }
0x9: {  	[smem:$0x3FAF] =	sst s1  }
0xa: {  	[smem:$0x3FB0] =	sst s2  }
0xb: {  	[smem:$0x3FB1] =	sst s3  }
0xc: {  	[smem:$0x3FB2] =	sst s4  }
0xd: {  	[smem:$0x3FB3] =	sst s5  }
0xe: {  	[smem:$0x3FB4] =	sst s6  }
0xf: {  	[smem:$0x3FB5] =	sst s7  }
0x10: {  	[smem:$0x3FB6] =	sst s8  }
0x11: {  	[smem:$0x3FB7] =	sst s9;
	s0 =	simm.s32 @!p0 $0x0  }
0x12: {  	s1 =	sld [smem:$0x3F9D];
	s0 =	simm.s32 @p0 $0x1  }
0x13: {  	[smem:$0x3FB8] =	sst s0;
	s0 =	simm.s32 @!p1 $0x0  }
0x14: {  	s2 =	sld [smem:$0x3F9C];
	s0 =	simm.s32 @p1 $0x1  }
0x15: {  	[smem:$0x3FB9] =	sst s0;
	s0 =	simm.s32 @!p2 $0x0  }
0x16: {  	s3 =	sld [smem:$0x3FDB];
	s0 =	simm.s32 @p2 $0x1  }
0x17: {  	s4 =	simm.s32 $0x1BF5;
	[smem:$0x3FBB] =	sst s0  }
0x18: {  	s0 =	sld [smem:$0x3F9E];
	_ =	swait.ge [sflag:s4], $0x0  }
0x19: {  	s7 =	sld [smem:$0x3F9F]  }
0x1a: {  	s8 =	sadd.s32 $0xFFFFE003, lr  }
0x1b: {  	s9 =	sadd.s32 $0xFFFFFEF7, lr;
	s5 =	simm.s32 $0xFFFFFFFF;
	p2 =	slt.u32 s8, $0xFFFFF086  }
0x1c: {  	p1 =	slt.u32 s9, $0xF7A;
	s5 =	simm.s32 @!p2 $0x0  }
0x1d: {  	s5 =	simm.s32 @p1 $0x1;
	p0 =	seq.s32 s7, s2  }
0x1e: {  	s7 =	smul.u32 @!p0 $0xF7A, s2;
	p2 =	seq.s32 @!p0 s5, $0x0  }
0x1f: {  	s9 =	smul.u32 $0xF7A, s1;
	s8 =	simm.s32 @!p0 $0x1BF5;
	p2 =	por !p2, p0  }
0x20: {  	[sflag:s8] =	ssyncset.s32 @!p0 $0xFFFFF086;
	s6 =	sadd.s32 @!p0 s3, s7;
	s7 =	simm.s32 @!p0 $0x108  }
0x21: {  	s3 =	sadd.s32 s3, s9;
	s6 =	sadd.s32 @!p0 $0x88, s6;
	s7 =	simm.s32 @p2 $0x1082  }
0x22: {  	[simem:s7], [sflag:s8] =	dma.local @!p0 [hbm:s6], $0xF7A  }
0x23: {  	s9 =	sor.u32 $0xD0000000, s2;
	s6 =	simm.s32 $0x108;
	_ =	swait.ge @!p0 [sflag:s8], $0x0  }
0x24: {  	s3 =	sadd.s32 $0x88, s3;
	s6 =	simm.s32 @!p1 $0x1082;
	[sflag:s4] =	ssyncset.s32 $0xFFFFF086  }
0x25: {  	[simem:s6], [sflag:s4] =	dma.local [hbm:s3], $0xF7A  }
0x26: {  	[smem:$0x3F9F] =	sst s1;
	(tag) =	ssettag s2;
	_ =	strace s9  }
0x27: {  	s1 =	sld [smem:$0x3FAF]  }
0x28: {  	s2 =	sld [smem:$0x3FB0]  }
0x29: {  	s4 =	sld [smem:$0x3FB2]  }
0x2a: {  	p0 =	seq.s32 s5, $0x0;
	s5 =	sld [smem:$0x3FB3]  }
0x2b: {  	s6 =	sld [smem:$0x3FB4]  }
0x2c: {  	s7 =	sld [smem:$0x3FB5]  }
0x2d: {  	s3 =	simm.s32 $0x108;
	s8 =	sld [smem:$0x3FB6]  }
0x2e: {  	s3 =	simm.s32 @!p0 $0x1082;
	s9 =	sld [smem:$0x3FB7]  }
0x2f: {  	lr =	sadd.s32 s0, s3;
	s0 =	sld [smem:$0x3FAE]  }
0x30: {  	s3 =	sld [smem:$0x3FB1]  }
0x31: {  	[smem:$0x3FBA] =	sst s10  }
0x32: {  	s10 =	sld [smem:$0x3FB8];
	_ =	sdelay $0x3  }
0x33: {  	p0 =	seq.s32 s10, $0x1;
	s10 =	sld [smem:$0x3FBA];
	_ =	sdelay $0x3  }
0x34: {  	[smem:$0x3FBA] =	sst s10  }
0x35: {  	s10 =	sld [smem:$0x3FB9];
	_ =	sdelay $0x3  }
0x36: {  	p1 =	seq.s32 s10, $0x1;
	s10 =	sld [smem:$0x3FBA];
	_ =	sdelay $0x3  }
0x37: {  	[smem:$0x3FBA] =	sst s10  }
0x38: {  	s10 =	sld [smem:$0x3FBB]  }
0x39: {  	_ = 	snop;
	(pc) =	sbr.ind lr, $3  }
0x3a: {  	_ = 	snop  }
0x3b: {  	_ = 	snop  }
0x3c: {  	p2 =	seq.s32 s10, $0x1;
	s10 =	sld [smem:$0x3FBA]  }
0x3d: {  	_ =	shalt  }
0x3e: {  	_ =	shalt  }
0x3f: {  	_ =	shalt  }
0x40: {  	_ =	shalt  }
0x41: {  	_ =	shalt  }
0x42: {  	_ =	shalt  }
0x43: {  	_ =	shalt  }
0x44: {  	_ =	shalt  }
0x45: {  	_ =	shalt  }
0x46: {  	_ =	shalt  }
0x47: {  	_ =	shalt  }
0x48: {  	_ =	shalt  }
0x49: {  	_ =	shalt  }
0x4a: {  	_ =	shalt  }
0x4b: {  	_ =	shalt  }
0x4c: {  	_ =	shalt  }
0x4d: {  	_ =	shalt  }
0x4e: {  	_ =	shalt  }
0x4f: {  	_ =	shalt  }
0x50: {  	_ =	shalt  }
0x51: {  	_ =	shalt  }
0x52: {  	_ =	shalt  }
0x53: {  	_ =	shalt  }
0x54: {  	_ =	shalt  }
0x55: {  	_ =	shalt  }
0x56: {  	_ =	shalt  }
0x57: {  	_ =	shalt  }
0x58: {  	_ =	shalt  }
0x59: {  	_ =	shalt  }
0x5a: {  	_ =	shalt  }
0x5b: {  	_ =	shalt  }
0x5c: {  	_ =	shalt  }
0x5d: {  	_ =	shalt  }
0x5e: {  	_ =	shalt  }
0x5f: {  	_ =	shalt  }
0x60: {  	_ =	shalt  }
0x61: {  	_ =	shalt  }
0x62: {  	_ =	shalt  }
0x63: {  	_ =	shalt  }
0x64: {  	_ =	shalt  }
0x65: {  	_ =	shalt  }
0x66: {  	_ =	shalt  }
0x67: {  	_ =	shalt  }
0x68: {  	_ =	shalt  }
0x69: {  	_ =	shalt  }
0x6a: {  	_ =	shalt  }
0x6b: {  	_ =	shalt  }
0x6c: {  	_ =	shalt  }
0x6d: {  	_ =	shalt  }
0x6e: {  	_ =	shalt  }
0x6f: {  	_ =	shalt  }
0x70: {  	_ =	shalt  }
0x71: {  	_ =	shalt  }
0x72: {  	_ =	shalt  }
0x73: {  	_ =	shalt  }
0x74: {  	_ =	shalt  }
0x75: {  	_ =	shalt  }
0x76: {  	_ =	shalt  }
0x77: {  	_ =	shalt  }
0x78: {  	_ =	shalt  }
0x79: {  	_ =	shalt  }
0x7a: {  	_ =	shalt  }
0x7b: {  	_ =	shalt  }
0x7c: {  	_ =	shalt  }
0x7d: {  	_ =	shalt  }
0x7e: {  	_ =	shalt  }
0x7f: {  	_ =	shalt  }
0x80: {  	_ =	shalt  }
0x81: {  	_ =	shalt  }
0x82: {  	_ =	shalt  }
0x83: {  	_ =	shalt  }
0x84: {  	_ =	shalt  }
0x85: {  	_ =	shalt  }
0x86: {  	_ =	shalt  }
0x87: {  	_ =	shalt  }
.Lfunc_end0:
.L_simem_size_0:
called_computation_lowered:
.L_overlay_start_0:
0x88: {  	s2 =	sld [smem:$0x3FD9]  }
0x89: {  	s3 =	sld [smem:$0x3FFE];
	_ =	sdelay $0x1  }
0x8a: {  	s1 =	srdreg.scid  }
0x8b: {  	s0 =	sand.u32 $0x1, s1  }
0x8c: {  	s17 =	sshll.u32 s0, $0xA;
	s2 =	sadd.s32 s3, s2  }
0x8d: {  	s2 =	sadd.s32 s2, s17  }
0x8e: {  	[smem:$0x3FC6] =	sst s2  }
0x8f: {  	_ = 	snop  }
0x90: {  	s2 =	sld [smem:$0x3FC8]  }
0x91: {  	s18 =	sld [smem:$0x3FD0];
	(tm) =	ssettm $0x1  }
0x92: {  	s4 =	sld [smem:$0x3FFB];
	_ =	sdelay $0x3  }
0x93: {  	_ =	strace s4  }
0x94: {  	s4 =	sld [smem:$0x3FFC];
	_ =	sdelay $0x3  }
0x95: {  	_ =	strace s4  }
0x96: {  	s4 =	sld [smem:$0x3FFD];
	_ =	sdelay $0x3  }
0x97: {  	_ =	strace s4  }
0x98: {  	_ =	strace $0x8FFFFFFF  }
0x99: {  	s19 =	sld [smem:$0x3FDB];
	_ =	sdelay $0x1  }
0x9a: {  	s5 =	simm.s32 $_scs_section_size  }
0x9b: {  	s6 =	simm.s32 $_size__tile_overlayer_lowered;
	s7 =	simm.s32 $_tile_overlayer_lowered  }
0x9c: {  	s22 =	simm.s32 $0x1BFF;
	s21 =	sshll.u32 s7, $0x1;
	s4 =	sadd.s32 s5, s19  }
0x9d: {  	s8 =	simm.s32 $0x0;
	s20 =	sshll.u32 s6, $0x1;
	s6 =	sadd.s32 s21, s4  }
0x9e: {  	[timem:s8], [sflag:s22] =	dma.local [hbm:s6], s20  }
0x9f: {  	_ =	swait.ge [sflag:s22], s20  }
0xa0: {  	s5 =	ssub.s32 $0x0, s20;
	[sflag:s22] =	ssyncset.done $0x0  }
0xa1: {  	[sflag:s22] =	ssyncadd.s32 s5;
	_ =	sdelay $0x1  }
0xa2: {  	s23 =	simm.s32 $0x1B8B  }
0xa3: {  	_ =	swait.ge [sflag:s23], $0x1  }
0xa4: {  	[sflag:s23] =	ssyncset.done $0x0  }
0xa5: {  	s25 =	simm.s32 $0x1B8E;
	s24 =	sld [smem:$0x3FFE];
	[sflag:s23] =	ssyncadd.s32 $0xFFFFFFFF  }
0xa6: {  	s26 =	simm.s32 $execute0_lowered;
	[smem:$0x3FD2] =	sst s25  }
0xa7: {  	s6 =	sshll.u32 s26, $0x1;
	_ =	strace $0x80000046;
	[dreg:$0x1] =	wrdreg $0xFFFFFFFF  }
0xa8: {  	s28 =	simm.s32 $_size_execute0_lowered;
	s4 =	sadd.s32 s4, s6;
	[dreg:$0x0] =	wrdreg $0x0  }
0xa9: {  	s6 =	sshll.u32 s28, $0x1;
	[dreg:$0x2] =	wrdreg s4  }
0xaa: {  	[dreg:$0x3] =	wrdreg s6  }
0xab: {  	[dreg:$0x4] =	wrdreg $0xC0  }
0xac: {  	_ =	task [dreg:s8], $0x5FFFF  }
0xad: {  	[dreg:$0x1] =	wrdreg $0xFFFFFFFF  }
0xae: {  	[dreg:$0x0] =	wrdreg $0x60  }
0xaf: {  	[dreg:$0x2] =	wrdreg s2  }
0xb0: {  	[dreg:$0x3] =	wrdreg s24  }
0xb1: {  	[dreg:$0x4] =	wrdreg s18  }
0xb2: {  	[dreg:$0x5] =	wrdreg $0x9  }
0xb3: {  	_ =	task.clear_ibuf [dreg:s8], $0x6FFFF;
	_ =	strace $0x90000046  }
0xb4: {  	s29 =	simm.s32 $0x9;
	_ =	strace $0x80000048  }
0xb5: {  	_ =	swait.ge [sflag:s29], $0x1  }
0xb6: {  	[sflag:s29] =	ssyncadd.s32 $0xFFFFFFFF  }
0xb7: {  	_ =	strace $0x90000048  }
0xb8: {  	_ =	sfence  }
0xb9: {  	s30 =	sld [smem:$0x0];
	_ =	sdelay $0x2  }
0xba: {  	s31 =	sshll.u32 s1, $0xD;
	s1 =	sshrl.u32 s1, $0x2  }
0xbb: {  	s3 =	sand.u32 $0x4000, s31;
	s1 =	sadd.s32 s1, s30  }
0xbc: {  	s0 =	sor.u32 s3, s0;
	s1 =	sshll.u32 s1, $0x11  }
0xbd: {  	s0 =	sor.u32 s1, s0  }
0xbe: {  	s0 =	sadd.s32 $0x8F2B, s0  }
0xbf: {  	[sflag:s0] =	ssyncadd.remote.s32 $0x1  }
0xc0: {  	_ =	sfence.sel $0xFFFF  }
0xc1: {  	[dreg:$0x0] =	wrdreg $0xFFFFFFFF;
	(pc) =	sbr.abs _section_cstart, $3  }
0xc2: {  	[dreg:$0x1] =	wrdreg $0xFFFFFFFF  }
0xc3: {  	_ =	task.clear_ibuf [dreg:s8], $0x2FFFF;
	_ =	strace $0x9FFFFFFF  }
0xc4: {  	(tm) =	ssettm $0x7FFFFFFF  }
0xc5: {  	_ =	shalt  }
tec
execute0_lowered:
.L_overlay_start_1:
0x0: {  	(tag) =	ssettag $0x1  }
0x1: {  	s1 =	rddreg [dreg:$0x0]  }
0x2: {  	s0 =	rddreg [dreg:$0x1]  }
0x3: {  	s2 =	rddreg [dreg:$0x2];
	s3 =	srdreg.scid  }
0x4: {  	s9 =	stileid.u32;
	s12 =	simm.s32 $0x1400;
	s29 =	simm.s32 $0x4400  }
0x5: {  	s28 =	simm.s32 $0x4C00;
	s30 =	simm.s32 $0x5C00;
	s31 =	simm.s32 $0x6400  }
0x6: {  	s13 =	simm.s32 $0x1;
	s14 =	simm.s32 $0xA400;
	s11 =	simm.s32 $0x8  }
0x7: {  	s4 =	sand.u32 $0x1, s3;
	s3 =	simm.s32 $0x0;
	s5 =	sshll.u32 s9, $0xB  }
0x8: {  	s20 =	sshll.u32 s9, $0x12;
	s9 =	simm.s32 $0x8400;
	s6 =	sshll.u32 s4, $0xA  }
0x9: {  	[smem:$0x7FF] =	sst s3;
	s15 =	ssub.s32 $0x2, s4;
	s5 =	sor.u32 s6, s5  }
0xa: {  	s22 =	sshll.u32 s4, $0x11;
	s8 =	sshrl.u32 s15, $0x1;
	s16 =	sshll.u32 s5, $0x7  }
0xb: {  	_ =	strace $0x80000047;
	s6 =	ssub.s32 s15, s8;
	s10 =	sadd.s32 s2, s16  }
0xc: {  	s7 =	sshrl.u32 s5, $0x3;
	s26 =	smax.u32 s6, $0x1;
	[dreg:$0x6] =	wrdreg s10  }
0xd: {  	s0 =	sadd.s32 s7, s0;
	s6 =	simm.s32 $0x0;
	[dreg:$0xe] =	wrdreg s26  }
0xe: {  	s4 =	simm.s32 $0x6;
	s0 =	sadd.s32 $0x400, s0;
	[dreg:$0xf] =	wrdreg s6  }
0xf: {  	s5 =	sadd.s32 $0x100, s1;
	s17 =	sadd.s32 $0x400, s10;
	[dreg:$0x5] =	wrdreg s0  }
0x10: {  	s8 =	sadd.s32 $0x300, s1;
	s18 =	sadd.s32 $0x800, s10;
	[dreg:$0x7] =	wrdreg s17  }
0x11: {  	s15 =	simm.s32 $0x1C00;
	s19 =	sadd.s32 $0xC00, s10;
	[dreg:$0x8] =	wrdreg s18  }
0x12: {  	s7 =	sadd.s32 $0x200, s1;
	s21 =	sadd.s32 $0x1F000, s10;
	[dreg:$0x9] =	wrdreg s19  }
0x13: {  	s16 =	simm.s32 $0xC00;
	s23 =	sadd.s32 $0x1F400, s10;
	[dreg:$0xa] =	wrdreg s21  }
0x14: {  	s24 =	sadd.s32 $0x1F800, s10;
	s25 =	sadd.s32 $0x1FC00, s10;
	[dreg:$0xb] =	wrdreg s23  }
0x15: {  	s26 =	simm.s32 $0x2400;
	s10 =	simm.s32 $0x7;
	[dreg:$0xc] =	wrdreg s24  }
0x16: {  	s0 =	sadd.s32 s20, s2;
	[dreg:$0xd] =	wrdreg s25;
	s20 =	simm.s32 $0x2C00  }
0x17: {  	s21 =	simm.s32 $0x3400;
	s23 =	simm.s32 $0x3C00;
	s18 =	simm.s32 $0x5400  }
0x18: {  	v0 =	vlaneseq.u32;
	s17 =	simm.s32 $0x2;
	s19 =	simm.s32 $0xC400;
	s24 =	simm.s32 $0x3  }
0x19: {  	v1 =	vshrl.u32 v0, $0x3;
	s25 =	simm.s32 $0xE400;
	s2 =	simm.s32 $0x5;
	s0 =	sadd.s32 s22, s0  }
0x1a: {  	vm0 =	vmmov $0xffff;
	v0 =	vand.u32 $0x7, v0;
	v1 =	vmul.u32 $0x8, v1;
	s22 =	simm.s32 $0x400;
	[dreg:$0x4] =	wrdreg s0;
	s0 =	simm.s32 $0x4  }
.LBB2_1:
0x1b: {  	s6 =	rddreg [dreg:$0x5]  }
0x1c: {  	[tilespmem:s3], [sflag:$0x9] =	stream.linear.gather [hbm4b:s6+s3], $0x400, $0x38;
	[tilespmem:$0x10400] =	vst v63  }
0x1d: {  	s6 =	simm.s32 $0x9  }
0x1e: {  	_ =	swait.ge [sflag:s6], $0x400  }
0x1f: {  	[sflag:s6] =	ssyncset.done $0x0  }
0x20: {  	[sflag:s6] =	ssyncadd.s32 $0xFFFFFC00  }
0x21: {  	v2 =	vld.msk [tilespmem:$0x0], $0xff;
	_ =	sdelay $0x4  }
0x22: {  	v3 =	vshll.u32 v2, $0x3  }
0x23: {  	v2 =	vand.u32 $0x7, v2;
	v3 =	vand.u32 $0xFFFFFFC0, v3  }
0x24: {  	v2 =	vor.u32 v2, v3  }
0x25: {  	v2 =	vperm.xlane v2, v0;
	_ =	sdelay $0x1  }
0x26: {  	v2 =	vadd.s32 v1, v2;
	_ =	sdelay $0x4  }
0x27: {  	[tilespmem:s22], [sflag:$0x1] =	stream.indirect_vreg.gather [hbm4b:s1+s3], $0x80, v2, vm0, $0xb8;
	[tilespmem:$0x10400] =	vst v63  }
0x28: {  	_ = 	snop  }
0x29: {  	[tilespmem:s16], [sflag:$0x1] =	stream.indirect_vreg.gather [hbm4b:s5+s3], $0x80, v2, vm0, $0xb8;
	[tilespmem:$0x10400] =	vst v63  }
0x2a: {  	_ = 	snop  }
0x2b: {  	[tilespmem:s12], [sflag:$0x1] =	stream.indirect_vreg.gather [hbm4b:s7+s3], $0x80, v2, vm0, $0xb8;
	[tilespmem:$0x10400] =	vst v63  }
0x2c: {  	_ = 	snop  }
0x2d: {  	[tilespmem:s15], [sflag:$0x1] =	stream.indirect_vreg.gather [hbm4b:s8+s3], $0x80, v2, vm0, $0xb8;
	[tilespmem:$0x10400] =	vst v63  }
0x2e: {  	v2 =	vld.msk [tilespmem:$0x8], $0xff;
	_ =	sdelay $0x4  }
0x2f: {  	v3 =	vshll.u32 v2, $0x3  }
0x30: {  	v2 =	vand.u32 $0x7, v2;
	v3 =	vand.u32 $0xFFFFFFC0, v3  }
0x31: {  	v2 =	vor.u32 v2, v3  }
0x32: {  	v2 =	vperm.xlane v2, v0;
	_ =	sdelay $0x1  }
0x33: {  	v2 =	vadd.s32 v1, v2;
	_ =	sdelay $0x4  }
0x34: {  	[tilespmem:s26], [sflag:$0x2] =	stream.indirect_vreg.gather [hbm4b:s1+s3], $0x80, v2, vm0, $0xb8;
	[tilespmem:$0x10400] =	vst v63  }
0x35: {  	_ = 	snop  }
0x36: {  	[tilespmem:s20], [sflag:$0x2] =	stream.indirect_vreg.gather [hbm4b:s5+s3], $0x80, v2, vm0, $0xb8;
	[tilespmem:$0x10400] =	vst v63  }
0x37: {  	_ = 	snop  }
0x38: {  	[tilespmem:s21], [sflag:$0x2] =	stream.indirect_vreg.gather [hbm4b:s7+s3], $0x80, v2, vm0, $0xb8;
	[tilespmem:$0x10400] =	vst v63  }
0x39: {  	_ = 	snop  }
0x3a: {  	[tilespmem:s23], [sflag:$0x2] =	stream.indirect_vreg.gather [hbm4b:s8+s3], $0x80, v2, vm0, $0xb8;
	[tilespmem:$0x10400] =	vst v63  }
0x3b: {  	v2 =	vld.msk [tilespmem:$0x10], $0xff;
	_ =	sdelay $0x4  }
0x3c: {  	v3 =	vshll.u32 v2, $0x3  }
0x3d: {  	v2 =	vand.u32 $0x7, v2;
	v3 =	vand.u32 $0xFFFFFFC0, v3  }
0x3e: {  	v2 =	vor.u32 v2, v3  }
0x3f: {  	v2 =	vperm.xlane v2, v0;
	_ =	sdelay $0x1  }
0x40: {  	v2 =	vadd.s32 v1, v2;
	_ =	sdelay $0x4  }
0x41: {  	[tilespmem:s29], [sflag:$0x3] =	stream.indirect_vreg.gather [hbm4b:s1+s3], $0x80, v2, vm0, $0xb8;
	[tilespmem:$0x10400] =	vst v63  }
0x42: {  	_ = 	snop  }
0x43: {  	[tilespmem:s28], [sflag:$0x3] =	stream.indirect_vreg.gather [hbm4b:s5+s3], $0x80, v2, vm0, $0xb8;
	[tilespmem:$0x10400] =	vst v63  }
0x44: {  	_ = 	snop  }
0x45: {  	[tilespmem:s18], [sflag:$0x3] =	stream.indirect_vreg.gather [hbm4b:s7+s3], $0x80, v2, vm0, $0xb8;
	[tilespmem:$0x10400] =	vst v63  }
0x46: {  	_ = 	snop  }
0x47: {  	[tilespmem:s30], [sflag:$0x3] =	stream.indirect_vreg.gather [hbm4b:s8+s3], $0x80, v2, vm0, $0xb8;
	[tilespmem:$0x10400] =	vst v63  }
0x48: {  	v2 =	vld.msk [tilespmem:$0x18], $0xff;
	_ =	sdelay $0x4  }
0x49: {  	v3 =	vshll.u32 v2, $0x3  }
0x4a: {  	v2 =	vand.u32 $0x7, v2;
	v3 =	vand.u32 $0xFFFFFFC0, v3  }
0x4b: {  	v2 =	vor.u32 v2, v3  }
0x4c: {  	v2 =	vperm.xlane v2, v0;
	_ =	sdelay $0x1  }
0x4d: {  	v2 =	vadd.s32 v1, v2;
	_ =	sdelay $0x4  }
0x4e: {  	[tilespmem:s31], [sflag:$0x4] =	stream.indirect_vreg.gather [hbm4b:s1+s3], $0x80, v2, vm0, $0xb8;
	[tilespmem:$0x10400] =	vst v63  }
0x4f: {  	s20 =	simm.s32 $0x6C00  }
0x50: {  	[tilespmem:s20], [sflag:$0x4] =	stream.indirect_vreg.gather [hbm4b:s5+s3], $0x80, v2, vm0, $0xb8;
	[tilespmem:$0x10400] =	vst v63  }
0x51: {  	s21 =	simm.s32 $0x7400  }
0x52: {  	[tilespmem:s21], [sflag:$0x4] =	stream.indirect_vreg.gather [hbm4b:s7+s3], $0x80, v2, vm0, $0xb8;
	[tilespmem:$0x10400] =	vst v63  }
0x53: {  	s23 =	simm.s32 $0x7C00  }
0x54: {  	[tilespmem:s23], [sflag:$0x4] =	stream.indirect_vreg.gather [hbm4b:s8+s3], $0x80, v2, vm0, $0xb8;
	[tilespmem:$0x10400] =	vst v63  }
0x55: {  	v2 =	vld.msk [tilespmem:$0x20], $0xff;
	_ =	sdelay $0x4  }
0x56: {  	v3 =	vshll.u32 v2, $0x3  }
0x57: {  	v2 =	vand.u32 $0x7, v2;
	v3 =	vand.u32 $0xFFFFFFC0, v3  }
0x58: {  	v2 =	vor.u32 v2, v3  }
0x59: {  	v2 =	vperm.xlane v2, v0;
	_ =	sdelay $0x1  }
0x5a: {  	v2 =	vadd.s32 v1, v2;
	_ =	sdelay $0x4  }
0x5b: {  	[tilespmem:s9], [sflag:$0x5] =	stream.indirect_vreg.gather [hbm4b:s1+s3], $0x80, v2, vm0, $0xb8;
	[tilespmem:$0x10400] =	vst v63  }
0x5c: {  	s12 =	simm.s32 $0x8C00  }
0x5d: {  	[tilespmem:s12], [sflag:$0x5] =	stream.indirect_vreg.gather [hbm4b:s5+s3], $0x80, v2, vm0, $0xb8;
	[tilespmem:$0x10400] =	vst v63  }
0x5e: {  	s15 =	simm.s32 $0x9400  }
0x5f: {  	[tilespmem:s15], [sflag:$0x5] =	stream.indirect_vreg.gather [hbm4b:s7+s3], $0x80, v2, vm0, $0xb8;
	[tilespmem:$0x10400] =	vst v63  }
0x60: {  	s18 =	simm.s32 $0x9C00  }
0x61: {  	[tilespmem:s18], [sflag:$0x5] =	stream.indirect_vreg.gather [hbm4b:s8+s3], $0x80, v2, vm0, $0xb8;
	[tilespmem:$0x10400] =	vst v63  }
0x62: {  	_ =	swait.ge [sflag:s13], $0x2000  }
0x63: {  	[sflag:s13] =	ssyncset.done $0x0  }
0x64: {  	s20 =	rddreg [dreg:$0x6];
	[sflag:s13] =	ssyncadd.s32 $0xFFFFE000  }
0x65: {  	[hbm4b:s20+s3] =	stream.linear.scatter [tilespmem:s22], [sflag:$0x1], $0x2000, $0x38;
	[tilespmem:$0x10400] =	vst v63  }
0x66: {  	v2 =	vld.msk [tilespmem:$0x28], $0xff;
	_ =	sdelay $0x4  }
0x67: {  	v3 =	vshll.u32 v2, $0x3  }
0x68: {  	v2 =	vand.u32 $0x7, v2;
	v3 =	vand.u32 $0xFFFFFFC0, v3  }
0x69: {  	v2 =	vor.u32 v2, v3  }
0x6a: {  	v2 =	vperm.xlane v2, v0;
	_ =	sdelay $0x1  }
0x6b: {  	v2 =	vadd.s32 v1, v2;
	_ =	sdelay $0x4  }
0x6c: {  	[tilespmem:s14], [sflag:$0x6] =	stream.indirect_vreg.gather [hbm4b:s1+s3], $0x80, v2, vm0, $0xb8;
	[tilespmem:$0x10400] =	vst v63  }
0x6d: {  	s21 =	simm.s32 $0xAC00  }
0x6e: {  	[tilespmem:s21], [sflag:$0x6] =	stream.indirect_vreg.gather [hbm4b:s5+s3], $0x80, v2, vm0, $0xb8;
	[tilespmem:$0x10400] =	vst v63  }
0x6f: {  	s22 =	simm.s32 $0xB400  }
0x70: {  	[tilespmem:s22], [sflag:$0x6] =	stream.indirect_vreg.gather [hbm4b:s7+s3], $0x80, v2, vm0, $0xb8;
	[tilespmem:$0x10400] =	vst v63  }
0x71: {  	s23 =	simm.s32 $0xBC00  }
0x72: {  	[tilespmem:s23], [sflag:$0x6] =	stream.indirect_vreg.gather [hbm4b:s8+s3], $0x80, v2, vm0, $0xb8;
	[tilespmem:$0x10400] =	vst v63  }
0x73: {  	_ =	swait.ge [sflag:s17], $0x2000  }
0x74: {  	[sflag:s17] =	ssyncset.done $0x0  }
0x75: {  	s12 =	rddreg [dreg:$0x7];
	[sflag:s17] =	ssyncadd.s32 $0xFFFFE000  }
0x76: {  	[hbm4b:s12+s3] =	stream.linear.scatter [tilespmem:s26], [sflag:$0x2], $0x2000, $0x38;
	[tilespmem:$0x10400] =	vst v63  }
0x77: {  	v2 =	vld.msk [tilespmem:$0x30], $0xff;
	_ =	sdelay $0x4  }
0x78: {  	v3 =	vshll.u32 v2, $0x3  }
0x79: {  	v2 =	vand.u32 $0x7, v2;
	v3 =	vand.u32 $0xFFFFFFC0, v3  }
0x7a: {  	v2 =	vor.u32 v2, v3  }
0x7b: {  	v2 =	vperm.xlane v2, v0;
	_ =	sdelay $0x1  }
0x7c: {  	v2 =	vadd.s32 v1, v2;
	_ =	sdelay $0x4  }
0x7d: {  	[tilespmem:s19], [sflag:$0x7] =	stream.indirect_vreg.gather [hbm4b:s1+s3], $0x80, v2, vm0, $0xb8;
	[tilespmem:$0x10400] =	vst v63  }
0x7e: {  	s15 =	simm.s32 $0xCC00  }
0x7f: {  	[tilespmem:s15], [sflag:$0x7] =	stream.indirect_vreg.gather [hbm4b:s5+s3], $0x80, v2, vm0, $0xb8;
	[tilespmem:$0x10400] =	vst v63  }
0x80: {  	s18 =	simm.s32 $0xD400  }
0x81: {  	[tilespmem:s18], [sflag:$0x7] =	stream.indirect_vreg.gather [hbm4b:s7+s3], $0x80, v2, vm0, $0xb8;
	[tilespmem:$0x10400] =	vst v63  }
0x82: {  	s20 =	simm.s32 $0xDC00  }
0x83: {  	[tilespmem:s20], [sflag:$0x7] =	stream.indirect_vreg.gather [hbm4b:s8+s3], $0x80, v2, vm0, $0xb8;
	[tilespmem:$0x10400] =	vst v63  }
0x84: {  	_ =	swait.ge [sflag:s24], $0x2000  }
0x85: {  	[sflag:s24] =	ssyncset.done $0x0  }
0x86: {  	s21 =	rddreg [dreg:$0x8];
	[sflag:s24] =	ssyncadd.s32 $0xFFFFE000  }
0x87: {  	[hbm4b:s21+s3] =	stream.linear.scatter [tilespmem:s29], [sflag:$0x3], $0x2000, $0x38;
	[tilespmem:$0x10400] =	vst v63  }
0x88: {  	v2 =	vld.msk [tilespmem:$0x38], $0xff;
	_ =	sdelay $0x4  }
0x89: {  	v3 =	vshll.u32 v2, $0x3  }
0x8a: {  	v2 =	vand.u32 $0x7, v2;
	v3 =	vand.u32 $0xFFFFFFC0, v3  }
0x8b: {  	v2 =	vor.u32 v2, v3  }
0x8c: {  	v2 =	vperm.xlane v2, v0;
	_ =	sdelay $0x1  }
0x8d: {  	v2 =	vadd.s32 v1, v2;
	_ =	sdelay $0x4  }
0x8e: {  	[tilespmem:s25], [sflag:$0x8] =	stream.indirect_vreg.gather [hbm4b:s1+s3], $0x80, v2, vm0, $0xb8;
	[tilespmem:$0x10400] =	vst v63  }
0x8f: {  	s22 =	simm.s32 $0xEC00  }
0x90: {  	[tilespmem:s22], [sflag:$0x8] =	stream.indirect_vreg.gather [hbm4b:s5+s3], $0x80, v2, vm0, $0xb8;
	[tilespmem:$0x10400] =	vst v63  }
0x91: {  	s23 =	simm.s32 $0xF400  }
0x92: {  	[tilespmem:s23], [sflag:$0x8] =	stream.indirect_vreg.gather [hbm4b:s7+s3], $0x80, v2, vm0, $0xb8;
	[tilespmem:$0x10400] =	vst v63  }
0x93: {  	s28 =	simm.s32 $0x3400;
	s30 =	simm.s32 $0x4C00;
	s20 =	simm.s32 $0xFC00  }
0x94: {  	[tilespmem:s20], [sflag:$0x8] =	stream.indirect_vreg.gather [hbm4b:s8+s3], $0x80, v2, vm0, $0xb8;
	[tilespmem:$0x10400] =	vst v63  }
0x95: {  	s12 =	simm.s32 $0x78;
	s15 =	simm.s32 $0x0;
	_ =	swait.ge [sflag:s0], $0x2000  }
0x96: {  	s18 =	simm.s32 $0x4400;
	s29 =	simm.s32 $0x3C00;
	[sflag:s0] =	ssyncset.done $0x0  }
0x97: {  	s21 =	simm.s32 $0x1C00;
	s26 =	rddreg [dreg:$0x9];
	[sflag:s0] =	ssyncadd.s32 $0xFFFFE000  }
0x98: {  	[hbm4b:s26+s3] =	stream.linear.scatter [tilespmem:s31], [sflag:$0x4], $0x2000, $0x38;
	[tilespmem:$0x10400] =	vst v63  }
0x99: {  	s22 =	simm.s32 $0x400;
	s23 =	simm.s32 $0x5C00;
	s26 =	simm.s32 $0x2400  }
.LBB2_2:
0x9a: {  	_ =	swait.ge [sflag:s13], $0x2000  }
0x9b: {  	[sflag:s13] =	ssyncset.done $0x0  }
0x9c: {  	[sflag:s13] =	ssyncadd.s32 $0xFFFFE000  }
0x9d: {  	v2 =	vld.msk [tilespmem:s12+$0xFFFFFFC8], $0xff;
	_ =	sdelay $0x4  }
0x9e: {  	v3 =	vshll.u32 v2, $0x3  }
0x9f: {  	v2 =	vand.u32 $0x7, v2;
	v3 =	vand.u32 $0xFFFFFFC0, v3  }
0xa0: {  	v2 =	vor.u32 v2, v3  }
0xa1: {  	v2 =	vperm.xlane v2, v0;
	_ =	sdelay $0x1  }
0xa2: {  	v2 =	vadd.s32 v1, v2;
	_ =	sdelay $0x4  }
0xa3: {  	[tilespmem:s22], [sflag:$0x1] =	stream.indirect_vreg.gather [hbm4b:s1+s3], $0x80, v2, vm0, $0xb8;
	[tilespmem:$0x10400] =	vst v63  }
0xa4: {  	_ = 	snop  }
0xa5: {  	[tilespmem:s16], [sflag:$0x1] =	stream.indirect_vreg.gather [hbm4b:s5+s3], $0x80, v2, vm0, $0xb8;
	[tilespmem:$0x10400] =	vst v63  }
0xa6: {  	s6 =	simm.s32 $0x1400  }
0xa7: {  	[tilespmem:s6], [sflag:$0x1] =	stream.indirect_vreg.gather [hbm4b:s7+s3], $0x80, v2, vm0, $0xb8;
	[tilespmem:$0x10400] =	vst v63  }
0xa8: {  	_ = 	snop  }
0xa9: {  	[tilespmem:s21], [sflag:$0x1] =	stream.indirect_vreg.gather [hbm4b:s8+s3], $0x80, v2, vm0, $0xb8;
	[tilespmem:$0x10400] =	vst v63  }
0xaa: {  	_ =	swait.ge [sflag:s2], $0x2000  }
0xab: {  	s6 =	rddreg [dreg:$0x4]  }
0xac: {  	[sflag:s2] =	ssyncset.done $0x0;
	s16 =	sadd.s32 s15, s6  }
0xad: {  	[sflag:s2] =	ssyncadd.s32 $0xFFFFE000;
	s6 =	sadd.s32 $0x1000, s16  }
0xae: {  	[hbm4b:s6+s3] =	stream.linear.scatter [tilespmem:s9], [sflag:$0x5], $0x2000, $0x38;
	[tilespmem:$0x10400] =	vst v63  }
0xaf: {  	_ =	swait.ge [sflag:s17], $0x2000  }
0xb0: {  	[sflag:s17] =	ssyncset.done $0x0  }
0xb1: {  	[sflag:s17] =	ssyncadd.s32 $0xFFFFE000  }
0xb2: {  	v2 =	vld.msk [tilespmem:s12+$0xFFFFFFD0], $0xff;
	_ =	sdelay $0x4  }
0xb3: {  	v3 =	vshll.u32 v2, $0x3  }
0xb4: {  	v2 =	vand.u32 $0x7, v2;
	v3 =	vand.u32 $0xFFFFFFC0, v3  }
0xb5: {  	v2 =	vor.u32 v2, v3  }
0xb6: {  	v2 =	vperm.xlane v2, v0;
	_ =	sdelay $0x1  }
0xb7: {  	v2 =	vadd.s32 v1, v2;
	_ =	sdelay $0x4  }
0xb8: {  	[tilespmem:s26], [sflag:$0x2] =	stream.indirect_vreg.gather [hbm4b:s1+s3], $0x80, v2, vm0, $0xb8;
	[tilespmem:$0x10400] =	vst v63  }
0xb9: {  	s6 =	simm.s32 $0x2C00  }
0xba: {  	[tilespmem:s6], [sflag:$0x2] =	stream.indirect_vreg.gather [hbm4b:s5+s3], $0x80, v2, vm0, $0xb8;
	[tilespmem:$0x10400] =	vst v63  }
0xbb: {  	_ = 	snop  }
0xbc: {  	[tilespmem:s28], [sflag:$0x2] =	stream.indirect_vreg.gather [hbm4b:s7+s3], $0x80, v2, vm0, $0xb8;
	[tilespmem:$0x10400] =	vst v63  }
0xbd: {  	_ = 	snop  }
0xbe: {  	[tilespmem:s29], [sflag:$0x2] =	stream.indirect_vreg.gather [hbm4b:s8+s3], $0x80, v2, vm0, $0xb8;
	[tilespmem:$0x10400] =	vst v63  }
0xbf: {  	_ =	swait.ge [sflag:s4], $0x2000  }
0xc0: {  	[sflag:s4] =	ssyncset.done $0x0  }
0xc1: {  	s6 =	sadd.s32 $0x1400, s16;
	[sflag:s4] =	ssyncadd.s32 $0xFFFFE000  }
0xc2: {  	[hbm4b:s6+s3] =	stream.linear.scatter [tilespmem:s14], [sflag:$0x6], $0x2000, $0x38;
	[tilespmem:$0x10400] =	vst v63  }
0xc3: {  	_ =	swait.ge [sflag:s24], $0x2000  }
0xc4: {  	[sflag:s24] =	ssyncset.done $0x0  }
0xc5: {  	[sflag:s24] =	ssyncadd.s32 $0xFFFFE000  }
0xc6: {  	v2 =	vld.msk [tilespmem:s12+$0xFFFFFFD8], $0xff;
	_ =	sdelay $0x4  }
0xc7: {  	v3 =	vshll.u32 v2, $0x3  }
0xc8: {  	v2 =	vand.u32 $0x7, v2;
	v3 =	vand.u32 $0xFFFFFFC0, v3  }
0xc9: {  	v2 =	vor.u32 v2, v3  }
0xca: {  	v2 =	vperm.xlane v2, v0;
	_ =	sdelay $0x1  }
0xcb: {  	v2 =	vadd.s32 v1, v2;
	_ =	sdelay $0x4  }
0xcc: {  	[tilespmem:s18], [sflag:$0x3] =	stream.indirect_vreg.gather [hbm4b:s1+s3], $0x80, v2, vm0, $0xb8;
	[tilespmem:$0x10400] =	vst v63  }
0xcd: {  	_ = 	snop  }
0xce: {  	[tilespmem:s30], [sflag:$0x3] =	stream.indirect_vreg.gather [hbm4b:s5+s3], $0x80, v2, vm0, $0xb8;
	[tilespmem:$0x10400] =	vst v63  }
0xcf: {  	s6 =	simm.s32 $0x5400  }
0xd0: {  	[tilespmem:s6], [sflag:$0x3] =	stream.indirect_vreg.gather [hbm4b:s7+s3], $0x80, v2, vm0, $0xb8;
	[tilespmem:$0x10400] =	vst v63  }
0xd1: {  	_ = 	snop  }
0xd2: {  	[tilespmem:s23], [sflag:$0x3] =	stream.indirect_vreg.gather [hbm4b:s8+s3], $0x80, v2, vm0, $0xb8;
	[tilespmem:$0x10400] =	vst v63  }
0xd3: {  	_ =	swait.ge [sflag:s10], $0x2000  }
0xd4: {  	[sflag:s10] =	ssyncset.done $0x0  }
0xd5: {  	s6 =	sadd.s32 $0x1800, s16;
	[sflag:s10] =	ssyncadd.s32 $0xFFFFE000  }
0xd6: {  	[hbm4b:s6+s3] =	stream.linear.scatter [tilespmem:s19], [sflag:$0x7], $0x2000, $0x38;
	[tilespmem:$0x10400] =	vst v63  }
0xd7: {  	_ =	swait.ge [sflag:s0], $0x2000  }
0xd8: {  	[sflag:s0] =	ssyncset.done $0x0  }
0xd9: {  	[sflag:s0] =	ssyncadd.s32 $0xFFFFE000  }
0xda: {  	v2 =	vld.msk [tilespmem:s12+$0xFFFFFFE0], $0xff;
	_ =	sdelay $0x4  }
0xdb: {  	v3 =	vshll.u32 v2, $0x3  }
0xdc: {  	v2 =	vand.u32 $0x7, v2;
	v3 =	vand.u32 $0xFFFFFFC0, v3  }
0xdd: {  	v2 =	vor.u32 v2, v3  }
0xde: {  	v2 =	vperm.xlane v2, v0;
	_ =	sdelay $0x1  }
0xdf: {  	v2 =	vadd.s32 v1, v2;
	_ =	sdelay $0x4  }
0xe0: {  	[tilespmem:s31], [sflag:$0x4] =	stream.indirect_vreg.gather [hbm4b:s1+s3], $0x80, v2, vm0, $0xb8;
	[tilespmem:$0x10400] =	vst v63  }
0xe1: {  	s6 =	simm.s32 $0x6C00  }
0xe2: {  	[tilespmem:s6], [sflag:$0x4] =	stream.indirect_vreg.gather [hbm4b:s5+s3], $0x80, v2, vm0, $0xb8;
	[tilespmem:$0x10400] =	vst v63  }
0xe3: {  	s6 =	simm.s32 $0x7400  }
0xe4: {  	[tilespmem:s6], [sflag:$0x4] =	stream.indirect_vreg.gather [hbm4b:s7+s3], $0x80, v2, vm0, $0xb8;
	[tilespmem:$0x10400] =	vst v63  }
0xe5: {  	s6 =	simm.s32 $0x7C00  }
0xe6: {  	[tilespmem:s6], [sflag:$0x4] =	stream.indirect_vreg.gather [hbm4b:s8+s3], $0x80, v2, vm0, $0xb8;
	[tilespmem:$0x10400] =	vst v63  }
0xe7: {  	_ =	swait.ge [sflag:s11], $0x2000  }
0xe8: {  	[sflag:s11] =	ssyncset.done $0x0  }
0xe9: {  	s6 =	sadd.s32 $0x1C00, s16;
	[sflag:s11] =	ssyncadd.s32 $0xFFFFE000  }
0xea: {  	[hbm4b:s6+s3] =	stream.linear.scatter [tilespmem:s25], [sflag:$0x8], $0x2000, $0x38;
	[tilespmem:$0x10400] =	vst v63  }
0xeb: {  	_ =	swait.ge [sflag:s2], $0x2000  }
0xec: {  	[sflag:s2] =	ssyncset.done $0x0  }
0xed: {  	[sflag:s2] =	ssyncadd.s32 $0xFFFFE000  }
0xee: {  	v2 =	vld.msk [tilespmem:s12+$0xFFFFFFE8], $0xff;
	_ =	sdelay $0x4  }
0xef: {  	v3 =	vshll.u32 v2, $0x3  }
0xf0: {  	v2 =	vand.u32 $0x7, v2;
	v3 =	vand.u32 $0xFFFFFFC0, v3  }
0xf1: {  	v2 =	vor.u32 v2, v3  }
0xf2: {  	v2 =	vperm.xlane v2, v0;
	_ =	sdelay $0x1  }
0xf3: {  	v2 =	vadd.s32 v1, v2;
	_ =	sdelay $0x4  }
0xf4: {  	[tilespmem:s9], [sflag:$0x5] =	stream.indirect_vreg.gather [hbm4b:s1+s3], $0x80, v2, vm0, $0xb8;
	[tilespmem:$0x10400] =	vst v63  }
0xf5: {  	s6 =	simm.s32 $0x8C00  }
0xf6: {  	[tilespmem:s6], [sflag:$0x5] =	stream.indirect_vreg.gather [hbm4b:s5+s3], $0x80, v2, vm0, $0xb8;
	[tilespmem:$0x10400] =	vst v63  }
0xf7: {  	s6 =	simm.s32 $0x9400  }
0xf8: {  	[tilespmem:s6], [sflag:$0x5] =	stream.indirect_vreg.gather [hbm4b:s7+s3], $0x80, v2, vm0, $0xb8;
	[tilespmem:$0x10400] =	vst v63  }
0xf9: {  	s6 =	simm.s32 $0x9C00  }
0xfa: {  	[tilespmem:s6], [sflag:$0x5] =	stream.indirect_vreg.gather [hbm4b:s8+s3], $0x80, v2, vm0, $0xb8;
	[tilespmem:$0x10400] =	vst v63  }
0xfb: {  	_ =	swait.ge [sflag:s13], $0x2000  }
0xfc: {  	[sflag:s13] =	ssyncset.done $0x0  }
0xfd: {  	s6 =	sadd.s32 $0x2000, s16;
	[sflag:s13] =	ssyncadd.s32 $0xFFFFE000  }
0xfe: {  	[hbm4b:s6+s3] =	stream.linear.scatter [tilespmem:s22], [sflag:$0x1], $0x2000, $0x38;
	[tilespmem:$0x10400] =	vst v63  }
0xff: {  	_ =	swait.ge [sflag:s4], $0x2000  }
0x100: {  	[sflag:s4] =	ssyncset.done $0x0  }
0x101: {  	[sflag:s4] =	ssyncadd.s32 $0xFFFFE000  }
0x102: {  	v2 =	vld.msk [tilespmem:s12+$0xFFFFFFF0], $0xff;
	_ =	sdelay $0x4  }
0x103: {  	v3 =	vshll.u32 v2, $0x3  }
0x104: {  	v2 =	vand.u32 $0x7, v2;
	v3 =	vand.u32 $0xFFFFFFC0, v3  }
0x105: {  	v2 =	vor.u32 v2, v3  }
0x106: {  	v2 =	vperm.xlane v2, v0;
	_ =	sdelay $0x1  }
0x107: {  	v2 =	vadd.s32 v1, v2;
	_ =	sdelay $0x4  }
0x108: {  	[tilespmem:s14], [sflag:$0x6] =	stream.indirect_vreg.gather [hbm4b:s1+s3], $0x80, v2, vm0, $0xb8;
	[tilespmem:$0x10400] =	vst v63  }
0x109: {  	s6 =	simm.s32 $0xAC00  }
0x10a: {  	[tilespmem:s6], [sflag:$0x6] =	stream.indirect_vreg.gather [hbm4b:s5+s3], $0x80, v2, vm0, $0xb8;
	[tilespmem:$0x10400] =	vst v63  }
0x10b: {  	s6 =	simm.s32 $0xB400  }
0x10c: {  	[tilespmem:s6], [sflag:$0x6] =	stream.indirect_vreg.gather [hbm4b:s7+s3], $0x80, v2, vm0, $0xb8;
	[tilespmem:$0x10400] =	vst v63  }
0x10d: {  	s6 =	simm.s32 $0xBC00  }
0x10e: {  	[tilespmem:s6], [sflag:$0x6] =	stream.indirect_vreg.gather [hbm4b:s8+s3], $0x80, v2, vm0, $0xb8;
	[tilespmem:$0x10400] =	vst v63  }
0x10f: {  	_ =	swait.ge [sflag:s17], $0x2000  }
0x110: {  	[sflag:s17] =	ssyncset.done $0x0  }
0x111: {  	s6 =	sadd.s32 $0x2400, s16;
	[sflag:s17] =	ssyncadd.s32 $0xFFFFE000  }
0x112: {  	[hbm4b:s6+s3] =	stream.linear.scatter [tilespmem:s26], [sflag:$0x2], $0x2000, $0x38;
	[tilespmem:$0x10400] =	vst v63  }
0x113: {  	_ =	swait.ge [sflag:s10], $0x2000  }
0x114: {  	[sflag:s10] =	ssyncset.done $0x0  }
0x115: {  	[sflag:s10] =	ssyncadd.s32 $0xFFFFE000  }
0x116: {  	v2 =	vld.msk [tilespmem:s12+$0xFFFFFFF8], $0xff;
	_ =	sdelay $0x4  }
0x117: {  	v3 =	vshll.u32 v2, $0x3  }
0x118: {  	v2 =	vand.u32 $0x7, v2;
	v3 =	vand.u32 $0xFFFFFFC0, v3  }
0x119: {  	v2 =	vor.u32 v2, v3  }
0x11a: {  	v2 =	vperm.xlane v2, v0;
	_ =	sdelay $0x1  }
0x11b: {  	v2 =	vadd.s32 v1, v2;
	_ =	sdelay $0x4  }
0x11c: {  	[tilespmem:s19], [sflag:$0x7] =	stream.indirect_vreg.gather [hbm4b:s1+s3], $0x80, v2, vm0, $0xb8;
	[tilespmem:$0x10400] =	vst v63  }
0x11d: {  	s6 =	simm.s32 $0xCC00  }
0x11e: {  	[tilespmem:s6], [sflag:$0x7] =	stream.indirect_vreg.gather [hbm4b:s5+s3], $0x80, v2, vm0, $0xb8;
	[tilespmem:$0x10400] =	vst v63  }
0x11f: {  	s6 =	simm.s32 $0xD400  }
0x120: {  	[tilespmem:s6], [sflag:$0x7] =	stream.indirect_vreg.gather [hbm4b:s7+s3], $0x80, v2, vm0, $0xb8;
	[tilespmem:$0x10400] =	vst v63  }
0x121: {  	s6 =	simm.s32 $0xDC00  }
0x122: {  	[tilespmem:s6], [sflag:$0x7] =	stream.indirect_vreg.gather [hbm4b:s8+s3], $0x80, v2, vm0, $0xb8;
	[tilespmem:$0x10400] =	vst v63  }
0x123: {  	_ =	swait.ge [sflag:s24], $0x2000  }
0x124: {  	[sflag:s24] =	ssyncset.done $0x0  }
0x125: {  	s6 =	sadd.s32 $0x2800, s16;
	[sflag:s24] =	ssyncadd.s32 $0xFFFFE000  }
0x126: {  	[hbm4b:s6+s3] =	stream.linear.scatter [tilespmem:s18], [sflag:$0x3], $0x2000, $0x38;
	[tilespmem:$0x10400] =	vst v63  }
0x127: {  	_ =	swait.ge [sflag:s11], $0x2000  }
0x128: {  	[sflag:s11] =	ssyncset.done $0x0  }
0x129: {  	[sflag:s11] =	ssyncadd.s32 $0xFFFFE000  }
0x12a: {  	v2 =	vld.msk [tilespmem:s12+$0x0], $0xff;
	_ =	sdelay $0x4  }
0x12b: {  	v3 =	vshll.u32 v2, $0x3  }
0x12c: {  	v2 =	vand.u32 $0x7, v2;
	v3 =	vand.u32 $0xFFFFFFC0, v3  }
0x12d: {  	v2 =	vor.u32 v2, v3  }
0x12e: {  	v2 =	vperm.xlane v2, v0;
	_ =	sdelay $0x1  }
0x12f: {  	v2 =	vadd.s32 v1, v2;
	_ =	sdelay $0x4  }
0x130: {  	[tilespmem:s25], [sflag:$0x8] =	stream.indirect_vreg.gather [hbm4b:s1+s3], $0x80, v2, vm0, $0xb8;
	[tilespmem:$0x10400] =	vst v63  }
0x131: {  	s6 =	simm.s32 $0xEC00  }
0x132: {  	[tilespmem:s6], [sflag:$0x8] =	stream.indirect_vreg.gather [hbm4b:s5+s3], $0x80, v2, vm0, $0xb8;
	[tilespmem:$0x10400] =	vst v63  }
0x133: {  	s6 =	simm.s32 $0xF400  }
0x134: {  	[tilespmem:s6], [sflag:$0x8] =	stream.indirect_vreg.gather [hbm4b:s7+s3], $0x80, v2, vm0, $0xb8;
	[tilespmem:$0x10400] =	vst v63  }
0x135: {  	p0 =	sne.s32 s15, $0x1C000  }
0x136: {  	[tilespmem:s20], [sflag:$0x8] =	stream.indirect_vreg.gather [hbm4b:s8+s3], $0x80, v2, vm0, $0xb8;
	[tilespmem:$0x10400] =	vst v63  }
.Ltmp0:
0x137: {  	_ = 	snop;
	(pc) =	sbr.rel @p0 .LBB2_2-.Ltmp0, $4  }
0x138: {  	_ =	swait.ge [sflag:s0], $0x2000  }
0x139: {  	s15 =	sadd.s32 $0x2000, s15;
	s12 =	sadd.s32 $0x40, s12;
	[sflag:s0] =	ssyncset.done $0x0  }
0x13a: {  	s6 =	sadd.s32 $0x2C00, s16;
	s16 =	simm.s32 $0xC00;
	[sflag:s0] =	ssyncadd.s32 $0xFFFFE000  }
0x13b: {  	[hbm4b:s6+s3] =	stream.linear.scatter [tilespmem:s31], [sflag:$0x4], $0x2000, $0x38;
	[tilespmem:$0x10400] =	vst v63  }
0x13c: {  	_ =	swait.ge [sflag:s13], $0x2000  }
0x13d: {  	[sflag:s13] =	ssyncset.done $0x0  }
0x13e: {  	[sflag:s13] =	ssyncadd.s32 $0xFFFFE000  }
0x13f: {  	_ =	swait.ge [sflag:s2], $0x2000  }
0x140: {  	[sflag:s2] =	ssyncset.done $0x0  }
0x141: {  	s6 =	rddreg [dreg:$0xa];
	[sflag:s2] =	ssyncadd.s32 $0xFFFFE000  }
0x142: {  	[hbm4b:s6+s3] =	stream.linear.scatter [tilespmem:s9], [sflag:$0x5], $0x2000, $0x38;
	[tilespmem:$0x10400] =	vst v63  }
0x143: {  	_ =	swait.ge [sflag:s17], $0x2000  }
0x144: {  	[sflag:s17] =	ssyncset.done $0x0  }
0x145: {  	[sflag:s17] =	ssyncadd.s32 $0xFFFFE000  }
0x146: {  	_ =	swait.ge [sflag:s4], $0x2000  }
0x147: {  	[sflag:s4] =	ssyncset.done $0x0  }
0x148: {  	s21 =	rddreg [dreg:$0xb];
	[sflag:s4] =	ssyncadd.s32 $0xFFFFE000  }
0x149: {  	[hbm4b:s21+s3] =	stream.linear.scatter [tilespmem:s14], [sflag:$0x6], $0x2000, $0x38;
	[tilespmem:$0x10400] =	vst v63  }
0x14a: {  	_ =	swait.ge [sflag:s24], $0x2000  }
0x14b: {  	[sflag:s24] =	ssyncset.done $0x0  }
0x14c: {  	[sflag:s24] =	ssyncadd.s32 $0xFFFFE000  }
0x14d: {  	_ =	swait.ge [sflag:s10], $0x2000  }
0x14e: {  	[sflag:s10] =	ssyncset.done $0x0  }
0x14f: {  	s22 =	rddreg [dreg:$0xc];
	[sflag:s10] =	ssyncadd.s32 $0xFFFFE000  }
0x150: {  	[hbm4b:s22+s3] =	stream.linear.scatter [tilespmem:s19], [sflag:$0x7], $0x2000, $0x38;
	[tilespmem:$0x10400] =	vst v63  }
0x151: {  	_ =	swait.ge [sflag:s0], $0x2000  }
0x152: {  	[sflag:s0] =	ssyncset.done $0x0  }
0x153: {  	[sflag:s0] =	ssyncadd.s32 $0xFFFFE000  }
0x154: {  	_ =	swait.ge [sflag:s11], $0x2000  }
0x155: {  	[sflag:s11] =	ssyncset.done $0x0  }
0x156: {  	s23 =	rddreg [dreg:$0xd];
	[sflag:s11] =	ssyncadd.s32 $0xFFFFE000  }
0x157: {  	[hbm4b:s23+s3] =	stream.linear.scatter [tilespmem:s25], [sflag:$0x8], $0x2000, $0x38;
	[tilespmem:$0x10400] =	vst v63  }
0x158: {  	_ =	swait.ge [sflag:s2], $0x2000  }
0x159: {  	[sflag:s2] =	ssyncset.done $0x0  }
0x15a: {  	[sflag:s2] =	ssyncadd.s32 $0xFFFFE000  }
0x15b: {  	_ =	swait.ge [sflag:s4], $0x2000  }
0x15c: {  	[sflag:s4] =	ssyncset.done $0x0  }
0x15d: {  	[sflag:s4] =	ssyncadd.s32 $0xFFFFE000  }
0x15e: {  	_ =	swait.ge [sflag:s10], $0x2000  }
0x15f: {  	[sflag:s10] =	ssyncset.done $0x0  }
0x160: {  	[sflag:s10] =	ssyncadd.s32 $0xFFFFE000  }
0x161: {  	_ =	swait.ge [sflag:s11], $0x2000  }
0x162: {  	s12 =	rddreg [dreg:$0xf]  }
0x163: {  	s26 =	rddreg [dreg:$0xe];
	s12 =	sadd.s32 $0x1, s12  }
0x164: {  	p0 =	sne.s32 s12, s26  }
.Ltmp1:
0x165: {  	s15 =	simm.s32 $0x1C00;
	s20 =	simm.s32 $0x2C00;
	(pc) =	sbr.rel @p0 .LBB2_1-.Ltmp1, $4  }
0x166: {  	s28 =	simm.s32 $0x4C00;
	s18 =	simm.s32 $0x5400;
	s29 =	simm.s32 $0x4400  }
0x167: {  	s30 =	simm.s32 $0x5C00;
	s21 =	simm.s32 $0x3400;
	[sflag:s11] =	ssyncset.done $0x0  }
0x168: {  	s22 =	simm.s32 $0x400;
	s23 =	simm.s32 $0x3C00;
	[sflag:s11] =	ssyncadd.s32 $0xFFFFE000  }
0x169: {  	[dreg:$0xf] =	wrdreg s12;
	s12 =	simm.s32 $0x1400;
	s26 =	simm.s32 $0x2400  }
0x16a: {  	_ =	sfence.sel $0x180000  }
0x16b: {  	[bflag:$0x0] =	sbarrier.arrive $0xFFFF  }
0x16c: {  	_ =	strace $0x90000047  }
0x16d: {  	s0 =	stileid.u32;
	[bflag:$0x2] =	sbarrier.arrive $0xFFFF  }
0x16e: {  	p0 =	sne.s32 s0, $0x0;
	s0 =	rddreg [dreg:$0x3]  }
0x16f: {  	s0 =	sadd.s32 @!p0 $0x100000, s0  }
0x170: {  	[sflag:s0] =	ssyncadd.tile.s32 @!p0 $0x1;
	_ =	shalt  }
.Lfunc_end2:
_tile_overlayer_lowered:
.L_overlay_start_2:
0x171: {  	(tag) =	ssettag $0x2  }
0x172: {  	s0 =	rddreg [dreg:$0x0];
	s2 =	stileid.u32  }
0x173: {  	s1 =	rddreg [dreg:$0x1];
	p0 =	sne.s32 s2, $0x0  }
0x174: {  	s3 =	rddreg [dreg:$0x2];
	[bflag:$0x3] =	sbarrier.arrive $0xFFFF;
	s2 =	simm.s32 @!p0 $0x1C09  }
0x175: {  	[timem:s3], [sflag:s2] =	dma.local @!p0 [hbm:s0], s1  }
0x176: {  	s0 =	simm.s32 @!p0 $0x9  }
0x177: {  	_ =	swait.ge @!p0 [sflag:s0], s1  }
0x178: {  	s1 =	ssub.s32 @!p0 $0x0, s1;
	[sflag:s0] =	ssyncset.done @!p0 $0x0  }
0x179: {  	[sflag:s0] =	ssyncadd.s32 @!p0 s1  }
0x17a: {  	[bflag:$0x3] =	sbarrier.arrive $0xFFFF  }
0x17b: {  	_ =	shalt  }

</sc_bundles>
